<compile_context>
chip_gen: v7x
topology: tpu7x:2x2x1
jax: 0.10.2.dev20260603
libtpu: 0.0.44.dev20260713+nightly
codegen_flags: <defaults>
</compile_context>

<pallas_src>
import functools

import jax
import jax.numpy as jnp
from jax import lax
from jax.experimental import pallas as pl
from jax.experimental.pallas import tpu as pltpu
from jax.experimental.pallas import tpu_sc as plsc

_B = 1024
_H = 500
_HP = 512
_K = 400.0
_N = 500.0
_EPS = 0.1
_ITERS = 8
_PAD_Q = 1e30

_NW = 32
_RPW = _B // _NW

_NT = (((1,), (1,)), ((), ()))


def _dot_nt(a, b):
    return lax.dot_general(a, b, _NT, preferred_element_type=jnp.float32)


def _s_to_q(s):
    m = jnp.max(jnp.maximum(s, jnp.abs(s - 1.0)))
    a = 1.0 / (_EPS * m * m)
    q = jnp.exp((2.0 * s - 1.0) * a)
    pad = jnp.full((_B, _HP - _H), _PAD_Q, jnp.float32)
    return jnp.concatenate([q, pad], axis=1)


def _pad_s(s):
    return jnp.concatenate([s, jnp.zeros((_B, _HP - _H), jnp.float32)], axis=1)


def _mask_mul(s_p, q_p, xr):
    xc = xr[:, :1]
    h = s_p * (1.0 - xc / (q_p + xc))
    return h[:, :_H]


def _tc_first(x_ref, w_ref, b_ref, s_ref, q_ref):
    s = jnp.maximum(_dot_nt(x_ref[...], w_ref[...]) + b_ref[...], 0.0)
    s_ref[...] = _pad_s(s)
    q_ref[...] = _s_to_q(s)


def _tc_mid(s_ref, q_ref, xr_ref, w_ref, b_ref, s2_ref, q2_ref):
    h = _mask_mul(s_ref[...], q_ref[...], xr_ref[...])
    s = jnp.maximum(_dot_nt(h, w_ref[...]) + b_ref[...], 0.0)
    s2_ref[...] = _pad_s(s)
    q2_ref[...] = _s_to_q(s)


def _tc_last(s_ref, q_ref, xr_ref, w_ref, b_ref, o_ref):
    h = _mask_mul(s_ref[...], q_ref[...], xr_ref[...])
    o_ref[...] = _dot_nt(h, w_ref[...]) + b_ref[...]


@functools.partial(
    pl.kernel,
    out_type=jax.ShapeDtypeStruct((_B, 16), jnp.float32),
    mesh=plsc.VectorSubcoreMesh(core_axis_name="c", subcore_axis_name="s"),
    compiler_params=pltpu.CompilerParams(needs_layout_passes=False),
    scratch_types=[
        pltpu.VMEM((_RPW, _HP), jnp.float32),
        pltpu.VMEM((_RPW, 16), jnp.float32),
    ],
)
def _sc_newton(q_hbm, x_hbm, q_v, x_v):
    wid = lax.axis_index("s") * 2 + lax.axis_index("c")
    base = wid * _RPW
    pltpu.sync_copy(q_hbm.at[pl.ds(base, _RPW)], q_v)

    def row_body(r, carry):
        def newton(_, x):
            s1v = jnp.zeros((16,), jnp.float32)
            s2v = jnp.zeros((16,), jnp.float32)
            for j in range(_HP // 16):
                t = 1.0 / (q_v[r, pl.ds(j * 16, 16)] + x)
                s1v = s1v + t
                s2v = s2v + t * t
            s1 = jnp.sum(s1v)
            s2 = jnp.sum(s2v)
            xn = x - (x * s1 - (_N - _K)) / (s1 - x * s2)
            return jnp.abs(xn)

        x = lax.fori_loop(0, _ITERS, newton,
                          jnp.full((16,), 1e-6, jnp.float32))
        x_v[r] = x
        return carry

    lax.fori_loop(0, _RPW, row_body, jnp.int32(0))
    pltpu.sync_copy(x_v, x_hbm.at[pl.ds(base, _RPW)])


def _tc_call(body, out_shapes, *args):
    return pl.pallas_call(
        body,
        out_shape=out_shapes,
    )(*args)


@jax.jit
def kernel(x, W1, b1, W2, b2, W3, b3, W4, b4):
    f32 = jnp.float32
    sq = [jax.ShapeDtypeStruct((_B, _HP), f32)] * 2
    s1, q1 = _tc_call(_tc_first, sq, x, W1, b1.reshape(1, -1))
    x1 = _sc_newton(q1)
    s2, q2 = _tc_call(_tc_mid, sq, s1, q1, x1, W2, b2.reshape(1, -1))
    x2 = _sc_newton(q2)
    s3, q3 = _tc_call(_tc_mid, sq, s2, q2, x2, W3, b3.reshape(1, -1))
    x3 = _sc_newton(q3)
    out = _tc_call(_tc_last, jax.ShapeDtypeStruct((_B, W4.shape[0]), f32),
                   s3, q3, x3, W4, b4.reshape(1, -1))
    return out

# --- scband reference (transcript-rebuilt; emitter-appended) ---
"""Pipeline reference for scband-neural-net-62045097558546 (READ-ONLY COPY).

The authoritative reference and input builder live on the scoring server;
editing this copy changes nothing except your own understanding.
"""

import jax, jax.numpy as jnp
import numpy as np

B = 1024
IN_SIZE = 1024
HIDDEN = 500
NUM_CLASSES = 10
TOPK_K = 400
EPSILON = 0.1
MAX_ITER = 50


def _linear_init(key, fan_in, fan_out):
    k1, k2 = jax.random.split(key)
    bound = 1.0 / np.sqrt(fan_in)
    W = jax.random.uniform(k1, (fan_out, fan_in), minval=-bound, maxval=bound, dtype=jnp.float32)
    b = jax.random.uniform(k2, (fan_out,), minval=-bound, maxval=bound, dtype=jnp.float32)
    return W, b


def setup_inputs(seed: int = 0) -> dict:
    key = jax.random.key(seed)
    ks = jax.random.split(key, 5)
    x = jax.random.normal(ks[0], (B, IN_SIZE), dtype=jnp.float32)
    W1, b1 = _linear_init(ks[1], IN_SIZE, HIDDEN)
    W2, b2 = _linear_init(ks[2], HIDDEN, HIDDEN)
    W3, b3 = _linear_init(ks[3], HIDDEN, HIDDEN)
    W4, b4 = _linear_init(ks[4], HIDDEN, NUM_CLASSES)
    return {"x": x, "W1": W1, "b1": b1, "W2": W2, "b2": b2,
            "W3": W3, "b3": b3, "W4": W4, "b4": b4}


def soft_topk_mask(scores, k, epsilon=EPSILON, max_iter=MAX_ITER):
    # SOFT differentiable top-k via entropic optimal transport (Sinkhorn),
    # faithful to the canonical TopK_custom implementation: two anchors [0, 1],
    # marginals mu uniform over n, nu = [(n-k)/n, k/n]; mask = Gamma[:, :, 1] * n.
    bs, n = scores.shape
    anchors = jnp.array([0.0, 1.0], dtype=scores.dtype).reshape(1, 1, 2)
    s = scores.reshape(bs, n, 1)
    C = (s - anchors) ** 2
    C = C / jax.lax.stop_gradient(jnp.max(C))
    mu = jnp.ones((1, n, 1), dtype=scores.dtype) / n
    nu = jnp.array([(n - k) / n, k / n], dtype=scores.dtype).reshape(1, 1, 2)
    G = jnp.exp(-C / epsilon)
    v = jnp.ones((bs, 1, 2), dtype=scores.dtype) / 2.0
    for _ in range(max_iter):
        u = mu / jnp.sum(G * v, axis=-1, keepdims=True)
        v = nu / jnp.sum(G * u, axis=-2, keepdims=True)
    u = mu / jnp.sum(G * v, axis=-1, keepdims=True)
    Gamma = u * G * v
    return Gamma[:, :, 1] * n


def reference(x, W1, b1, W2, b2, W3, b3, W4, b4):
    # The torch forward draws sparse = int(randint(1,10)/10) in {0,1}; we fix
    # sparse = 1 deterministically so the top-k masking path is exercised.
    sparse = 1.0
    out = jax.nn.relu(x @ W1.T + b1)
    out = out * sparse * soft_topk_mask(out, TOPK_K) + (1.0 - sparse) * out
    out = jax.nn.relu(out @ W2.T + b2)
    out = out * sparse * soft_topk_mask(out, TOPK_K) + (1.0 - sparse) * out
    out = jax.nn.relu(out @ W3.T + b3)
    out = out * sparse * soft_topk_mask(out, TOPK_K) + (1.0 - sparse) * out
    out = out @ W4.T + b4
    return out

if __name__ == "__main__":
    import jax
    _d = setup_inputs()
    print(jax.jit(kernel)(*tuple(_d.values())))

</pallas_src>

<mosaic_0001>
#map = affine_map<(d0, d1) -> (0, 0)>
module attributes {stable_mosaic.version = 14 : i64} {
  func.func @_sc_newton(%arg0: i32, %arg1: i32, %arg2: memref<1024x512xf32, #tpu.memory_space<hbm>>, %arg3: memref<1024x16xf32, #tpu.memory_space<hbm>>, %arg4: memref<32x512xf32, #tpu.memory_space<vmem>>, %arg5: memref<32x16xf32, #tpu.memory_space<vmem>>) attributes {dimension_semantics = [#tpu.dimension_semantics<core_parallel>, #tpu.dimension_semantics<subcore_parallel>], iteration_bounds = array<i64: 2, 16>, scalar_prefetch = 0 : i64, scratch_operands = 2 : i64, tpu.core_type = #tpu.core_type<sc_vector_subcore>, window_params = [{transform_indices = #map}, {transform_indices = #map}]} {
    %mul3A = arith.constant 2 : i32
    %mul3A_0 = arith.muli %arg1, %mul3A : i32
    %add3A = arith.addi %mul3A_0, %arg0 : i32
    %mul3A_1 = arith.constant 32 : i32
    %mul3A_2 = arith.muli %add3A, %mul3A_1 : i32
    "tpu.region"() ({
      %run_scoped3A = tpu.sem_alloc : memref<!tpu.dma_semaphore, #tpu.memory_space<semaphore_mem>>
      %dma_start3A = arith.constant 0 : i32
      %dma_start3A_8 = tpu.memref_slice %arg2[%mul3A_2, %dma_start3A] : memref<1024x512xf32, #tpu.memory_space<hbm>> -> memref<32x512xf32, #tpu.memory_space<hbm>>
      %dma_start3A_9 = arith.constant 0 : i32
      %dma_start3A_10 = tpu.memref_slice %arg2[%mul3A_2, %dma_start3A_9] : memref<1024x512xf32, #tpu.memory_space<hbm>> -> memref<32x512xf32, #tpu.memory_space<hbm>>
      tpu.enqueue_dma source(%dma_start3A_10 : memref<32x512xf32, #tpu.memory_space<hbm>>) target(%arg4 : memref<32x512xf32, #tpu.memory_space<vmem>>) target_semaphore(%run_scoped3A : memref<!tpu.dma_semaphore, #tpu.memory_space<semaphore_mem>>)
      %dma_wait3A = arith.constant 0 : i32
      %dma_wait3A_11 = tpu.memref_slice %arg2[%mul3A_2, %dma_wait3A] : memref<1024x512xf32, #tpu.memory_space<hbm>> -> memref<32x512xf32, #tpu.memory_space<hbm>>
      %dma_wait3A_12 = arith.constant 0 : i32
      %dma_wait3A_13 = tpu.memref_slice %arg2[%mul3A_2, %dma_wait3A_12] : memref<1024x512xf32, #tpu.memory_space<hbm>> -> memref<32x512xf32, #tpu.memory_space<hbm>>
      tpu.wait_dma2 semaphore(%run_scoped3A : memref<!tpu.dma_semaphore, #tpu.memory_space<semaphore_mem>>) src(%dma_wait3A_13 : memref<32x512xf32, #tpu.memory_space<hbm>>) dst(%arg4 : memref<32x512xf32, #tpu.memory_space<vmem>>)
      tpu.yield
    }) : () -> ()
    %scan3A = arith.constant 0 : i32
    %scan3A_3 = arith.constant 0 : i32
    %scan3A_4 = arith.constant 32 : i32
    %scan3A_5 = arith.addi %scan3A_3, %scan3A_4 : i32
    %scan3A_6 = arith.constant 1 : i32
    scf.for %scan3A_8 = %scan3A_3 to %scan3A_5 step %scan3A_6  : i32 {
      %broadcast_in_dim3A = arith.constant 9.99999997E-7 : f32
      %broadcast_in_dim3A_9 = vector.broadcast %broadcast_in_dim3A : f32 to vector<16xf32>
      %scan3A_10 = arith.constant 0 : i32
      %scan3A_11 = arith.constant 8 : i32
      %scan3A_12 = arith.addi %scan3A_10, %scan3A_11 : i32
      %scan3A_13 = arith.constant 1 : i32
      %scan3A_14 = scf.for %scan3A_18 = %scan3A_10 to %scan3A_12 step %scan3A_13 iter_args(%scan3A_19 = %broadcast_in_dim3A_9) -> (vector<16xf32>)  : i32 {
        %broadcast_in_dim3A_20 = arith.constant 0.000000e+00 : f32
        %broadcast_in_dim3A_21 = vector.broadcast %broadcast_in_dim3A_20 : f32 to vector<16xf32>
        %broadcast_in_dim3A_22 = arith.constant 0.000000e+00 : f32
        %broadcast_in_dim3A_23 = vector.broadcast %broadcast_in_dim3A_22 : f32 to vector<16xf32>
        %get3A = arith.index_cast %scan3A_8 : i32 to index
        %get3A_24 = arith.constant 0 : index
        %get3A_25 = tpu.vector_load %arg4[%get3A, %get3A_24] {strides = array<i32>} : memref<32x512xf32, #tpu.memory_space<vmem>>, vector<16xf32>,
        %add3A_26 = arith.addf %get3A_25, %scan3A_19 : vector<16xf32>
        %div3A = arith.constant 1.000000e+00 : f32
        %div3A_27 = vector.broadcast %div3A : f32 to vector<16xf32>
        %div3A_28 = arith.divf %div3A_27, %add3A_26 : vector<16xf32>
        %add3A_29 = arith.addf %broadcast_in_dim3A_21, %div3A_28 : vector<16xf32>
        %mul3A_30 = arith.mulf %div3A_28, %div3A_28 : vector<16xf32>
        %add3A_31 = arith.addf %broadcast_in_dim3A_23, %mul3A_30 : vector<16xf32>
        %get3A_32 = arith.index_cast %scan3A_8 : i32 to index
        %get3A_33 = arith.constant 16 : index
        %get3A_34 = tpu.vector_load %arg4[%get3A_32, %get3A_33] {strides = array<i32>} : memref<32x512xf32, #tpu.memory_space<vmem>>, vector<16xf32>,
        %add3A_35 = arith.addf %get3A_34, %scan3A_19 : vector<16xf32>
        %div3A_36 = arith.constant 1.000000e+00 : f32
        %div3A_37 = vector.broadcast %div3A_36 : f32 to vector<16xf32>
        %div3A_38 = arith.divf %div3A_37, %add3A_35 : vector<16xf32>
        %add3A_39 = arith.addf %add3A_29, %div3A_38 : vector<16xf32>
        %mul3A_40 = arith.mulf %div3A_38, %div3A_38 : vector<16xf32>
        %add3A_41 = arith.addf %add3A_31, %mul3A_40 : vector<16xf32>
        %get3A_42 = arith.index_cast %scan3A_8 : i32 to index
        %get3A_43 = arith.constant 32 : index
        %get3A_44 = tpu.vector_load %arg4[%get3A_42, %get3A_43] {strides = array<i32>} : memref<32x512xf32, #tpu.memory_space<vmem>>, vector<16xf32>,
        %add3A_45 = arith.addf %get3A_44, %scan3A_19 : vector<16xf32>
        %div3A_46 = arith.constant 1.000000e+00 : f32
        %div3A_47 = vector.broadcast %div3A_46 : f32 to vector<16xf32>
        %div3A_48 = arith.divf %div3A_47, %add3A_45 : vector<16xf32>
        %add3A_49 = arith.addf %add3A_39, %div3A_48 : vector<16xf32>
        %mul3A_50 = arith.mulf %div3A_48, %div3A_48 : vector<16xf32>
        %add3A_51 = arith.addf %add3A_41, %mul3A_50 : vector<16xf32>
        %get3A_52 = arith.index_cast %scan3A_8 : i32 to index
        %get3A_53 = arith.constant 48 : index
        %get3A_54 = tpu.vector_load %arg4[%get3A_52, %get3A_53] {strides = array<i32>} : memref<32x512xf32, #tpu.memory_space<vmem>>, vector<16xf32>,
        %add3A_55 = arith.addf %get3A_54, %scan3A_19 : vector<16xf32>
        %div3A_56 = arith.constant 1.000000e+00 : f32
        %div3A_57 = vector.broadcast %div3A_56 : f32 to vector<16xf32>
        %div3A_58 = arith.divf %div3A_57, %add3A_55 : vector<16xf32>
        %add3A_59 = arith.addf %add3A_49, %div3A_58 : vector<16xf32>
        %mul3A_60 = arith.mulf %div3A_58, %div3A_58 : vector<16xf32>
        %add3A_61 = arith.addf %add3A_51, %mul3A_60 : vector<16xf32>
        %get3A_62 = arith.index_cast %scan3A_8 : i32 to index
        %get3A_63 = arith.constant 64 : index
        %get3A_64 = tpu.vector_load %arg4[%get3A_62, %get3A_63] {strides = array<i32>} : memref<32x512xf32, #tpu.memory_space<vmem>>, vector<16xf32>,
        %add3A_65 = arith.addf %get3A_64, %scan3A_19 : vector<16xf32>
        %div3A_66 = arith.constant 1.000000e+00 : f32
        %div3A_67 = vector.broadcast %div3A_66 : f32 to vector<16xf32>
        %div3A_68 = arith.divf %div3A_67, %add3A_65 : vector<16xf32>
        %add3A_69 = arith.addf %add3A_59, %div3A_68 : vector<16xf32>
        %mul3A_70 = arith.mulf %div3A_68, %div3A_68 : vector<16xf32>
        %add3A_71 = arith.addf %add3A_61, %mul3A_70 : vector<16xf32>
        %get3A_72 = arith.index_cast %scan3A_8 : i32 to index
        %get3A_73 = arith.constant 80 : index
        %get3A_74 = tpu.vector_load %arg4[%get3A_72, %get3A_73] {strides = array<i32>} : memref<32x512xf32, #tpu.memory_space<vmem>>, vector<16xf32>,
        %add3A_75 = arith.addf %get3A_74, %scan3A_19 : vector<16xf32>
        %div3A_76 = arith.constant 1.000000e+00 : f32
        %div3A_77 = vector.broadcast %div3A_76 : f32 to vector<16xf32>
        %div3A_78 = arith.divf %div3A_77, %add3A_75 : vector<16xf32>
        %add3A_79 = arith.addf %add3A_69, %div3A_78 : vector<16xf32>
        %mul3A_80 = arith.mulf %div3A_78, %div3A_78 : vector<16xf32>
        %add3A_81 = arith.addf %add3A_71, %mul3A_80 : vector<16xf32>
        %get3A_82 = arith.index_cast %scan3A_8 : i32 to index
        %get3A_83 = arith.constant 96 : index
        %get3A_84 = tpu.vector_load %arg4[%get3A_82, %get3A_83] {strides = array<i32>} : memref<32x512xf32, #tpu.memory_space<vmem>>, vector<16xf32>,
        %add3A_85 = arith.addf %get3A_84, %scan3A_19 : vector<16xf32>
        %div3A_86 = arith.constant 1.000000e+00 : f32
        %div3A_87 = vector.broadcast %div3A_86 : f32 to vector<16xf32>
        %div3A_88 = arith.divf %div3A_87, %add3A_85 : vector<16xf32>
        %add3A_89 = arith.addf %add3A_79, %div3A_88 : vector<16xf32>
        %mul3A_90 = arith.mulf %div3A_88, %div3A_88 : vector<16xf32>
        %add3A_91 = arith.addf %add3A_81, %mul3A_90 : vector<16xf32>
        %get3A_92 = arith.index_cast %scan3A_8 : i32 to index
        %get3A_93 = arith.constant 112 : index
        %get3A_94 = tpu.vector_load %arg4[%get3A_92, %get3A_93] {strides = array<i32>} : memref<32x512xf32, #tpu.memory_space<vmem>>, vector<16xf32>,
        %add3A_95 = arith.addf %get3A_94, %scan3A_19 : vector<16xf32>
        %div3A_96 = arith.constant 1.000000e+00 : f32
        %div3A_97 = vector.broadcast %div3A_96 : f32 to vector<16xf32>
        %div3A_98 = arith.divf %div3A_97, %add3A_95 : vector<16xf32>
        %add3A_99 = arith.addf %add3A_89, %div3A_98 : vector<16xf32>
        %mul3A_100 = arith.mulf %div3A_98, %div3A_98 : vector<16xf32>
        %add3A_101 = arith.addf %add3A_91, %mul3A_100 : vector<16xf32>
        %get3A_102 = arith.index_cast %scan3A_8 : i32 to index
        %get3A_103 = arith.constant 128 : index
        %get3A_104 = tpu.vector_load %arg4[%get3A_102, %get3A_103] {strides = array<i32>} : memref<32x512xf32, #tpu.memory_space<vmem>>, vector<16xf32>,
        %add3A_105 = arith.addf %get3A_104, %scan3A_19 : vector<16xf32>
        %div3A_106 = arith.constant 1.000000e+00 : f32
        %div3A_107 = vector.broadcast %div3A_106 : f32 to vector<16xf32>
        %div3A_108 = arith.divf %div3A_107, %add3A_105 : vector<16xf32>
        %add3A_109 = arith.addf %add3A_99, %div3A_108 : vector<16xf32>
        %mul3A_110 = arith.mulf %div3A_108, %div3A_108 : vector<16xf32>
        %add3A_111 = arith.addf %add3A_101, %mul3A_110 : vector<16xf32>
        %get3A_112 = arith.index_cast %scan3A_8 : i32 to index
        %get3A_113 = arith.constant 144 : index
        %get3A_114 = tpu.vector_load %arg4[%get3A_112, %get3A_113] {strides = array<i32>} : memref<32x512xf32, #tpu.memory_space<vmem>>, vector<16xf32>,
        %add3A_115 = arith.addf %get3A_114, %scan3A_19 : vector<16xf32>
        %div3A_116 = arith.constant 1.000000e+00 : f32
        %div3A_117 = vector.broadcast %div3A_116 : f32 to vector<16xf32>
        %div3A_118 = arith.divf %div3A_117, %add3A_115 : vector<16xf32>
        %add3A_119 = arith.addf %add3A_109, %div3A_118 : vector<16xf32>
        %mul3A_120 = arith.mulf %div3A_118, %div3A_118 : vector<16xf32>
        %add3A_121 = arith.addf %add3A_111, %mul3A_120 : vector<16xf32>
        %get3A_122 = arith.index_cast %scan3A_8 : i32 to index
        %get3A_123 = arith.constant 160 : index
        %get3A_124 = tpu.vector_load %arg4[%get3A_122, %get3A_123] {strides = array<i32>} : memref<32x512xf32, #tpu.memory_space<vmem>>, vector<16xf32>,
        %add3A_125 = arith.addf %get3A_124, %scan3A_19 : vector<16xf32>
        %div3A_126 = arith.constant 1.000000e+00 : f32
        %div3A_127 = vector.broadcast %div3A_126 : f32 to vector<16xf32>
        %div3A_128 = arith.divf %div3A_127, %add3A_125 : vector<16xf32>
        %add3A_129 = arith.addf %add3A_119, %div3A_128 : vector<16xf32>
        %mul3A_130 = arith.mulf %div3A_128, %div3A_128 : vector<16xf32>
        %add3A_131 = arith.addf %add3A_121, %mul3A_130 : vector<16xf32>
        %get3A_132 = arith.index_cast %scan3A_8 : i32 to index
        %get3A_133 = arith.constant 176 : index
        %get3A_134 = tpu.vector_load %arg4[%get3A_132, %get3A_133] {strides = array<i32>} : memref<32x512xf32, #tpu.memory_space<vmem>>, vector<16xf32>,
        %add3A_135 = arith.addf %get3A_134, %scan3A_19 : vector<16xf32>
        %div3A_136 = arith.constant 1.000000e+00 : f32
        %div3A_137 = vector.broadcast %div3A_136 : f32 to vector<16xf32>
        %div3A_138 = arith.divf %div3A_137, %add3A_135 : vector<16xf32>
        %add3A_139 = arith.addf %add3A_129, %div3A_138 : vector<16xf32>
        %mul3A_140 = arith.mulf %div3A_138, %div3A_138 : vector<16xf32>
        %add3A_141 = arith.addf %add3A_131, %mul3A_140 : vector<16xf32>
        %get3A_142 = arith.index_cast %scan3A_8 : i32 to index
        %get3A_143 = arith.constant 192 : index
        %get3A_144 = tpu.vector_load %arg4[%get3A_142, %get3A_143] {strides = array<i32>} : memref<32x512xf32, #tpu.memory_space<vmem>>, vector<16xf32>,
        %add3A_145 = arith.addf %get3A_144, %scan3A_19 : vector<16xf32>
        %div3A_146 = arith.constant 1.000000e+00 : f32
        %div3A_147 = vector.broadcast %div3A_146 : f32 to vector<16xf32>
        %div3A_148 = arith.divf %div3A_147, %add3A_145 : vector<16xf32>
        %add3A_149 = arith.addf %add3A_139, %div3A_148 : vector<16xf32>
        %mul3A_150 = arith.mulf %div3A_148, %div3A_148 : vector<16xf32>
        %add3A_151 = arith.addf %add3A_141, %mul3A_150 : vector<16xf32>
        %get3A_152 = arith.index_cast %scan3A_8 : i32 to index
        %get3A_153 = arith.constant 208 : index
        %get3A_154 = tpu.vector_load %arg4[%get3A_152, %get3A_153] {strides = array<i32>} : memref<32x512xf32, #tpu.memory_space<vmem>>, vector<16xf32>,
        %add3A_155 = arith.addf %get3A_154, %scan3A_19 : vector<16xf32>
        %div3A_156 = arith.constant 1.000000e+00 : f32
        %div3A_157 = vector.broadcast %div3A_156 : f32 to vector<16xf32>
        %div3A_158 = arith.divf %div3A_157, %add3A_155 : vector<16xf32>
        %add3A_159 = arith.addf %add3A_149, %div3A_158 : vector<16xf32>
        %mul3A_160 = arith.mulf %div3A_158, %div3A_158 : vector<16xf32>
        %add3A_161 = arith.addf %add3A_151, %mul3A_160 : vector<16xf32>
        %get3A_162 = arith.index_cast %scan3A_8 : i32 to index
        %get3A_163 = arith.constant 224 : index
        %get3A_164 = tpu.vector_load %arg4[%get3A_162, %get3A_163] {strides = array<i32>} : memref<32x512xf32, #tpu.memory_space<vmem>>, vector<16xf32>,
        %add3A_165 = arith.addf %get3A_164, %scan3A_19 : vector<16xf32>
        %div3A_166 = arith.constant 1.000000e+00 : f32
        %div3A_167 = vector.broadcast %div3A_166 : f32 to vector<16xf32>
        %div3A_168 = arith.divf %div3A_167, %add3A_165 : vector<16xf32>
        %add3A_169 = arith.addf %add3A_159, %div3A_168 : vector<16xf32>
        %mul3A_170 = arith.mulf %div3A_168, %div3A_168 : vector<16xf32>
        %add3A_171 = arith.addf %add3A_161, %mul3A_170 : vector<16xf32>
        %get3A_172 = arith.index_cast %scan3A_8 : i32 to index
        %get3A_173 = arith.constant 240 : index
        %get3A_174 = tpu.vector_load %arg4[%get3A_172, %get3A_173] {strides = array<i32>} : memref<32x512xf32, #tpu.memory_space<vmem>>, vector<16xf32>,
        %add3A_175 = arith.addf %get3A_174, %scan3A_19 : vector<16xf32>
        %div3A_176 = arith.constant 1.000000e+00 : f32
        %div3A_177 = vector.broadcast %div3A_176 : f32 to vector<16xf32>
        %div3A_178 = arith.divf %div3A_177, %add3A_175 : vector<16xf32>
        %add3A_179 = arith.addf %add3A_169, %div3A_178 : vector<16xf32>
        %mul3A_180 = arith.mulf %div3A_178, %div3A_178 : vector<16xf32>
        %add3A_181 = arith.addf %add3A_171, %mul3A_180 : vector<16xf32>
        %get3A_182 = arith.index_cast %scan3A_8 : i32 to index
        %get3A_183 = arith.constant 256 : index
        %get3A_184 = tpu.vector_load %arg4[%get3A_182, %get3A_183] {strides = array<i32>} : memref<32x512xf32, #tpu.memory_space<vmem>>, vector<16xf32>,
        %add3A_185 = arith.addf %get3A_184, %scan3A_19 : vector<16xf32>
        %div3A_186 = arith.constant 1.000000e+00 : f32
        %div3A_187 = vector.broadcast %div3A_186 : f32 to vector<16xf32>
        %div3A_188 = arith.divf %div3A_187, %add3A_185 : vector<16xf32>
        %add3A_189 = arith.addf %add3A_179, %div3A_188 : vector<16xf32>
        %mul3A_190 = arith.mulf %div3A_188, %div3A_188 : vector<16xf32>
        %add3A_191 = arith.addf %add3A_181, %mul3A_190 : vector<16xf32>
        %get3A_192 = arith.index_cast %scan3A_8 : i32 to index
        %get3A_193 = arith.constant 272 : index
        %get3A_194 = tpu.vector_load %arg4[%get3A_192, %get3A_193] {strides = array<i32>} : memref<32x512xf32, #tpu.memory_space<vmem>>, vector<16xf32>,
        %add3A_195 = arith.addf %get3A_194, %scan3A_19 : vector<16xf32>
        %div3A_196 = arith.constant 1.000000e+00 : f32
        %div3A_197 = vector.broadcast %div3A_196 : f32 to vector<16xf32>
        %div3A_198 = arith.divf %div3A_197, %add3A_195 : vector<16xf32>
        %add3A_199 = arith.addf %add3A_189, %div3A_198 : vector<16xf32>
        %mul3A_200 = arith.mulf %div3A_198, %div3A_198 : vector<16xf32>
        %add3A_201 = arith.addf %add3A_191, %mul3A_200 : vector<16xf32>
        %get3A_202 = arith.index_cast %scan3A_8 : i32 to index
        %get3A_203 = arith.constant 288 : index
        %get3A_204 = tpu.vector_load %arg4[%get3A_202, %get3A_203] {strides = array<i32>} : memref<32x512xf32, #tpu.memory_space<vmem>>, vector<16xf32>,
        %add3A_205 = arith.addf %get3A_204, %scan3A_19 : vector<16xf32>
        %div3A_206 = arith.constant 1.000000e+00 : f32
        %div3A_207 = vector.broadcast %div3A_206 : f32 to vector<16xf32>
        %div3A_208 = arith.divf %div3A_207, %add3A_205 : vector<16xf32>
        %add3A_209 = arith.addf %add3A_199, %div3A_208 : vector<16xf32>
        %mul3A_210 = arith.mulf %div3A_208, %div3A_208 : vector<16xf32>
        %add3A_211 = arith.addf %add3A_201, %mul3A_210 : vector<16xf32>
        %get3A_212 = arith.index_cast %scan3A_8 : i32 to index
        %get3A_213 = arith.constant 304 : index
        %get3A_214 = tpu.vector_load %arg4[%get3A_212, %get3A_213] {strides = array<i32>} : memref<32x512xf32, #tpu.memory_space<vmem>>, vector<16xf32>,
        %add3A_215 = arith.addf %get3A_214, %scan3A_19 : vector<16xf32>
        %div3A_216 = arith.constant 1.000000e+00 : f32
        %div3A_217 = vector.broadcast %div3A_216 : f32 to vector<16xf32>
        %div3A_218 = arith.divf %div3A_217, %add3A_215 : vector<16xf32>
        %add3A_219 = arith.addf %add3A_209, %div3A_218 : vector<16xf32>
        %mul3A_220 = arith.mulf %div3A_218, %div3A_218 : vector<16xf32>
        %add3A_221 = arith.addf %add3A_211, %mul3A_220 : vector<16xf32>
        %get3A_222 = arith.index_cast %scan3A_8 : i32 to index
        %get3A_223 = arith.constant 320 : index
        %get3A_224 = tpu.vector_load %arg4[%get3A_222, %get3A_223] {strides = array<i32>} : memref<32x512xf32, #tpu.memory_space<vmem>>, vector<16xf32>,
        %add3A_225 = arith.addf %get3A_224, %scan3A_19 : vector<16xf32>
        %div3A_226 = arith.constant 1.000000e+00 : f32
        %div3A_227 = vector.broadcast %div3A_226 : f32 to vector<16xf32>
        %div3A_228 = arith.divf %div3A_227, %add3A_225 : vector<16xf32>
        %add3A_229 = arith.addf %add3A_219, %div3A_228 : vector<16xf32>
        %mul3A_230 = arith.mulf %div3A_228, %div3A_228 : vector<16xf32>
        %add3A_231 = arith.addf %add3A_221, %mul3A_230 : vector<16xf32>
        %get3A_232 = arith.index_cast %scan3A_8 : i32 to index
        %get3A_233 = arith.constant 336 : index
        %get3A_234 = tpu.vector_load %arg4[%get3A_232, %get3A_233] {strides = array<i32>} : memref<32x512xf32, #tpu.memory_space<vmem>>, vector<16xf32>,
        %add3A_235 = arith.addf %get3A_234, %scan3A_19 : vector<16xf32>
        %div3A_236 = arith.constant 1.000000e+00 : f32
        %div3A_237 = vector.broadcast %div3A_236 : f32 to vector<16xf32>
        %div3A_238 = arith.divf %div3A_237, %add3A_235 : vector<16xf32>
        %add3A_239 = arith.addf %add3A_229, %div3A_238 : vector<16xf32>
        %mul3A_240 = arith.mulf %div3A_238, %div3A_238 : vector<16xf32>
        %add3A_241 = arith.addf %add3A_231, %mul3A_240 : vector<16xf32>
        %get3A_242 = arith.index_cast %scan3A_8 : i32 to index
        %get3A_243 = arith.constant 352 : index
        %get3A_244 = tpu.vector_load %arg4[%get3A_242, %get3A_243] {strides = array<i32>} : memref<32x512xf32, #tpu.memory_space<vmem>>, vector<16xf32>,
        %add3A_245 = arith.addf %get3A_244, %scan3A_19 : vector<16xf32>
        %div3A_246 = arith.constant 1.000000e+00 : f32
        %div3A_247 = vector.broadcast %div3A_246 : f32 to vector<16xf32>
        %div3A_248 = arith.divf %div3A_247, %add3A_245 : vector<16xf32>
        %add3A_249 = arith.addf %add3A_239, %div3A_248 : vector<16xf32>
        %mul3A_250 = arith.mulf %div3A_248, %div3A_248 : vector<16xf32>
        %add3A_251 = arith.addf %add3A_241, %mul3A_250 : vector<16xf32>
        %get3A_252 = arith.index_cast %scan3A_8 : i32 to index
        %get3A_253 = arith.constant 368 : index
        %get3A_254 = tpu.vector_load %arg4[%get3A_252, %get3A_253] {strides = array<i32>} : memref<32x512xf32, #tpu.memory_space<vmem>>, vector<16xf32>,
        %add3A_255 = arith.addf %get3A_254, %scan3A_19 : vector<16xf32>
        %div3A_256 = arith.constant 1.000000e+00 : f32
        %div3A_257 = vector.broadcast %div3A_256 : f32 to vector<16xf32>
        %div3A_258 = arith.divf %div3A_257, %add3A_255 : vector<16xf32>
        %add3A_259 = arith.addf %add3A_249, %div3A_258 : vector<16xf32>
        %mul3A_260 = arith.mulf %div3A_258, %div3A_258 : vector<16xf32>
        %add3A_261 = arith.addf %add3A_251, %mul3A_260 : vector<16xf32>
        %get3A_262 = arith.index_cast %scan3A_8 : i32 to index
        %get3A_263 = arith.constant 384 : index
        %get3A_264 = tpu.vector_load %arg4[%get3A_262, %get3A_263] {strides = array<i32>} : memref<32x512xf32, #tpu.memory_space<vmem>>, vector<16xf32>,
        %add3A_265 = arith.addf %get3A_264, %scan3A_19 : vector<16xf32>
        %div3A_266 = arith.constant 1.000000e+00 : f32
        %div3A_267 = vector.broadcast %div3A_266 : f32 to vector<16xf32>
        %div3A_268 = arith.divf %div3A_267, %add3A_265 : vector<16xf32>
        %add3A_269 = arith.addf %add3A_259, %div3A_268 : vector<16xf32>
        %mul3A_270 = arith.mulf %div3A_268, %div3A_268 : vector<16xf32>
        %add3A_271 = arith.addf %add3A_261, %mul3A_270 : vector<16xf32>
        %get3A_272 = arith.index_cast %scan3A_8 : i32 to index
        %get3A_273 = arith.constant 400 : index
        %get3A_274 = tpu.vector_load %arg4[%get3A_272, %get3A_273] {strides = array<i32>} : memref<32x512xf32, #tpu.memory_space<vmem>>, vector<16xf32>,
        %add3A_275 = arith.addf %get3A_274, %scan3A_19 : vector<16xf32>
        %div3A_276 = arith.constant 1.000000e+00 : f32
        %div3A_277 = vector.broadcast %div3A_276 : f32 to vector<16xf32>
        %div3A_278 = arith.divf %div3A_277, %add3A_275 : vector<16xf32>
        %add3A_279 = arith.addf %add3A_269, %div3A_278 : vector<16xf32>
        %mul3A_280 = arith.mulf %div3A_278, %div3A_278 : vector<16xf32>
        %add3A_281 = arith.addf %add3A_271, %mul3A_280 : vector<16xf32>
        %get3A_282 = arith.index_cast %scan3A_8 : i32 to index
        %get3A_283 = arith.constant 416 : index
        %get3A_284 = tpu.vector_load %arg4[%get3A_282, %get3A_283] {strides = array<i32>} : memref<32x512xf32, #tpu.memory_space<vmem>>, vector<16xf32>,
        %add3A_285 = arith.addf %get3A_284, %scan3A_19 : vector<16xf32>
        %div3A_286 = arith.constant 1.000000e+00 : f32
        %div3A_287 = vector.broadcast %div3A_286 : f32 to vector<16xf32>
        %div3A_288 = arith.divf %div3A_287, %add3A_285 : vector<16xf32>
        %add3A_289 = arith.addf %add3A_279, %div3A_288 : vector<16xf32>
        %mul3A_290 = arith.mulf %div3A_288, %div3A_288 : vector<16xf32>
        %add3A_291 = arith.addf %add3A_281, %mul3A_290 : vector<16xf32>
        %get3A_292 = arith.index_cast %scan3A_8 : i32 to index
        %get3A_293 = arith.constant 432 : index
        %get3A_294 = tpu.vector_load %arg4[%get3A_292, %get3A_293] {strides = array<i32>} : memref<32x512xf32, #tpu.memory_space<vmem>>, vector<16xf32>,
        %add3A_295 = arith.addf %get3A_294, %scan3A_19 : vector<16xf32>
        %div3A_296 = arith.constant 1.000000e+00 : f32
        %div3A_297 = vector.broadcast %div3A_296 : f32 to vector<16xf32>
        %div3A_298 = arith.divf %div3A_297, %add3A_295 : vector<16xf32>
        %add3A_299 = arith.addf %add3A_289, %div3A_298 : vector<16xf32>
        %mul3A_300 = arith.mulf %div3A_298, %div3A_298 : vector<16xf32>
        %add3A_301 = arith.addf %add3A_291, %mul3A_300 : vector<16xf32>
        %get3A_302 = arith.index_cast %scan3A_8 : i32 to index
        %get3A_303 = arith.constant 448 : index
        %get3A_304 = tpu.vector_load %arg4[%get3A_302, %get3A_303] {strides = array<i32>} : memref<32x512xf32, #tpu.memory_space<vmem>>, vector<16xf32>,
        %add3A_305 = arith.addf %get3A_304, %scan3A_19 : vector<16xf32>
        %div3A_306 = arith.constant 1.000000e+00 : f32
        %div3A_307 = vector.broadcast %div3A_306 : f32 to vector<16xf32>
        %div3A_308 = arith.divf %div3A_307, %add3A_305 : vector<16xf32>
        %add3A_309 = arith.addf %add3A_299, %div3A_308 : vector<16xf32>
        %mul3A_310 = arith.mulf %div3A_308, %div3A_308 : vector<16xf32>
        %add3A_311 = arith.addf %add3A_301, %mul3A_310 : vector<16xf32>
        %get3A_312 = arith.index_cast %scan3A_8 : i32 to index
        %get3A_313 = arith.constant 464 : index
        %get3A_314 = tpu.vector_load %arg4[%get3A_312, %get3A_313] {strides = array<i32>} : memref<32x512xf32, #tpu.memory_space<vmem>>, vector<16xf32>,
        %add3A_315 = arith.addf %get3A_314, %scan3A_19 : vector<16xf32>
        %div3A_316 = arith.constant 1.000000e+00 : f32
        %div3A_317 = vector.broadcast %div3A_316 : f32 to vector<16xf32>
        %div3A_318 = arith.divf %div3A_317, %add3A_315 : vector<16xf32>
        %add3A_319 = arith.addf %add3A_309, %div3A_318 : vector<16xf32>
        %mul3A_320 = arith.mulf %div3A_318, %div3A_318 : vector<16xf32>
        %add3A_321 = arith.addf %add3A_311, %mul3A_320 : vector<16xf32>
        %get3A_322 = arith.index_cast %scan3A_8 : i32 to index
        %get3A_323 = arith.constant 480 : index
        %get3A_324 = tpu.vector_load %arg4[%get3A_322, %get3A_323] {strides = array<i32>} : memref<32x512xf32, #tpu.memory_space<vmem>>, vector<16xf32>,
        %add3A_325 = arith.addf %get3A_324, %scan3A_19 : vector<16xf32>
        %div3A_326 = arith.constant 1.000000e+00 : f32
        %div3A_327 = vector.broadcast %div3A_326 : f32 to vector<16xf32>
        %div3A_328 = arith.divf %div3A_327, %add3A_325 : vector<16xf32>
        %add3A_329 = arith.addf %add3A_319, %div3A_328 : vector<16xf32>
        %mul3A_330 = arith.mulf %div3A_328, %div3A_328 : vector<16xf32>
        %add3A_331 = arith.addf %add3A_321, %mul3A_330 : vector<16xf32>
        %get3A_332 = arith.index_cast %scan3A_8 : i32 to index
        %get3A_333 = arith.constant 496 : index
        %get3A_334 = tpu.vector_load %arg4[%get3A_332, %get3A_333] {strides = array<i32>} : memref<32x512xf32, #tpu.memory_space<vmem>>, vector<16xf32>,
        %add3A_335 = arith.addf %get3A_334, %scan3A_19 : vector<16xf32>
        %div3A_336 = arith.constant 1.000000e+00 : f32
        %div3A_337 = vector.broadcast %div3A_336 : f32 to vector<16xf32>
        %div3A_338 = arith.divf %div3A_337, %add3A_335 : vector<16xf32>
        %add3A_339 = arith.addf %add3A_329, %div3A_338 : vector<16xf32>
        %mul3A_340 = arith.mulf %div3A_338, %div3A_338 : vector<16xf32>
        %add3A_341 = arith.addf %add3A_331, %mul3A_340 : vector<16xf32>
        %reduce_sum3A = arith.constant true
        %reduce_sum3A_342 = vector.broadcast %reduce_sum3A : i1 to vector<16xi1>
        %reduce_sum3A_343 = tpu.scan <sum>, %add3A_339 masked %reduce_sum3A_342 : vector<16xf32>, vector<16xi1> -> vector<16xf32>
        %reduce_sum3A_344 = vector.extract %reduce_sum3A_343[15] : f32 from vector<16xf32>
        %reduce_sum3A_345 = arith.constant true
        %reduce_sum3A_346 = vector.broadcast %reduce_sum3A_345 : i1 to vector<16xi1>
        %reduce_sum3A_347 = tpu.scan <sum>, %add3A_341 masked %reduce_sum3A_346 : vector<16xf32>, vector<16xi1> -> vector<16xf32>
        %reduce_sum3A_348 = vector.extract %reduce_sum3A_347[15] : f32 from vector<16xf32>
        %mul3A_349 = vector.broadcast %reduce_sum3A_344 : f32 to vector<16xf32>
        %mul3A_350 = arith.mulf %scan3A_19, %mul3A_349 : vector<16xf32>
        %sub3A = arith.constant 1.000000e+02 : f32
        %sub3A_351 = vector.broadcast %sub3A : f32 to vector<16xf32>
        %sub3A_352 = arith.subf %mul3A_350, %sub3A_351 : vector<16xf32>
        %mul3A_353 = vector.broadcast %reduce_sum3A_348 : f32 to vector<16xf32>
        %mul3A_354 = arith.mulf %scan3A_19, %mul3A_353 : vector<16xf32>
        %sub3A_355 = vector.broadcast %reduce_sum3A_344 : f32 to vector<16xf32>
        %sub3A_356 = arith.subf %sub3A_355, %mul3A_354 : vector<16xf32>
        %div3A_357 = arith.divf %sub3A_352, %sub3A_356 : vector<16xf32>
        %sub3A_358 = arith.subf %scan3A_19, %div3A_357 : vector<16xf32>
        %abs3A = math.absf %sub3A_358 : vector<16xf32>
        scf.yield %abs3A : vector<16xf32>
      }
      %scan3A_15 = arith.constant 8 : i32
      %swap3A = arith.index_cast %scan3A_8 : i32 to index
      %swap3A_16 = arith.constant 0 : index
      %swap3A_17 = tpu.vector_load %arg5[%swap3A, %swap3A_16] {strides = array<i32>} : memref<32x16xf32, #tpu.memory_space<vmem>>, vector<16xf32>,
      tpu.vector_store %arg5[%swap3A, %swap3A_16], %scan3A_14 {strides = array<i32>} : memref<32x16xf32, #tpu.memory_space<vmem>>, vector<16xf32>,
    }
    %scan3A_7 = arith.constant 32 : i32
    "tpu.region"() ({
      %run_scoped3A = tpu.sem_alloc : memref<!tpu.dma_semaphore, #tpu.memory_space<semaphore_mem>>
      %dma_start3A = arith.constant 0 : i32
      %dma_start3A_8 = tpu.memref_slice %arg3[%mul3A_2, %dma_start3A] : memref<1024x16xf32, #tpu.memory_space<hbm>> -> memref<32x16xf32, #tpu.memory_space<hbm>>
      %dma_start3A_9 = arith.constant 0 : i32
      %dma_start3A_10 = tpu.memref_slice %arg3[%mul3A_2, %dma_start3A_9] : memref<1024x16xf32, #tpu.memory_space<hbm>> -> memref<32x16xf32, #tpu.memory_space<hbm>>
      tpu.enqueue_dma source(%arg5 : memref<32x16xf32, #tpu.memory_space<vmem>>) target(%dma_start3A_10 : memref<32x16xf32, #tpu.memory_space<hbm>>) target_semaphore(%run_scoped3A : memref<!tpu.dma_semaphore, #tpu.memory_space<semaphore_mem>>)
      %dma_wait3A = arith.constant 0 : i32
      %dma_wait3A_11 = tpu.memref_slice %arg3[%mul3A_2, %dma_wait3A] : memref<1024x16xf32, #tpu.memory_space<hbm>> -> memref<32x16xf32, #tpu.memory_space<hbm>>
      %dma_wait3A_12 = arith.constant 0 : i32
      %dma_wait3A_13 = tpu.memref_slice %arg3[%mul3A_2, %dma_wait3A_12] : memref<1024x16xf32, #tpu.memory_space<hbm>> -> memref<32x16xf32, #tpu.memory_space<hbm>>
      tpu.wait_dma2 semaphore(%run_scoped3A : memref<!tpu.dma_semaphore, #tpu.memory_space<semaphore_mem>>) src(%arg5 : memref<32x16xf32, #tpu.memory_space<vmem>>) dst(%dma_wait3A_13 : memref<32x16xf32, #tpu.memory_space<hbm>>)
      tpu.yield
    }) : () -> ()
    return
  }
}

#map = affine_map<(d0, d1) -> (0, 0)>
module attributes {stable_mosaic.version = 14 : i64} {
  func.func @_sc_newton(%arg0: i32, %arg1: i32, %arg2: memref<1024x512xf32, #tpu.memory_space<hbm>>, %arg3: memref<1024x16xf32, #tpu.memory_space<hbm>>, %arg4: memref<32x512xf32, #tpu.memory_space<vmem>>, %arg5: memref<32x16xf32, #tpu.memory_space<vmem>>) attributes {dimension_semantics = [#tpu.dimension_semantics<core_parallel>, #tpu.dimension_semantics<subcore_parallel>], iteration_bounds = array<i64: 2, 16>, scalar_prefetch = 0 : i64, scratch_operands = 2 : i64, tpu.core_type = #tpu.core_type<sc_vector_subcore>, window_params = [{transform_indices = #map}, {transform_indices = #map}]} {
    %mul3A = arith.constant 2 : i32
    %mul3A_0 = arith.muli %arg1, %mul3A : i32
    %add3A = arith.addi %mul3A_0, %arg0 : i32
    %mul3A_1 = arith.constant 32 : i32
    %mul3A_2 = arith.muli %add3A, %mul3A_1 : i32
    "tpu.region"() ({
      %run_scoped3A = tpu.sem_alloc : memref<!tpu.dma_semaphore, #tpu.memory_space<semaphore_mem>>
      %dma_start3A = arith.constant 0 : i32
      %dma_start3A_8 = tpu.memref_slice %arg2[%mul3A_2, %dma_start3A] : memref<1024x512xf32, #tpu.memory_space<hbm>> -> memref<32x512xf32, #tpu.memory_space<hbm>>
      %dma_start3A_9 = arith.constant 0 : i32
      %dma_start3A_10 = tpu.memref_slice %arg2[%mul3A_2, %dma_start3A_9] : memref<1024x512xf32, #tpu.memory_space<hbm>> -> memref<32x512xf32, #tpu.memory_space<hbm>>
      tpu.enqueue_dma source(%dma_start3A_10 : memref<32x512xf32, #tpu.memory_space<hbm>>) target(%arg4 : memref<32x512xf32, #tpu.memory_space<vmem>>) target_semaphore(%run_scoped3A : memref<!tpu.dma_semaphore, #tpu.memory_space<semaphore_mem>>)
      %dma_wait3A = arith.constant 0 : i32
      %dma_wait3A_11 = tpu.memref_slice %arg2[%mul3A_2, %dma_wait3A] : memref<1024x512xf32, #tpu.memory_space<hbm>> -> memref<32x512xf32, #tpu.memory_space<hbm>>
      %dma_wait3A_12 = arith.constant 0 : i32
      %dma_wait3A_13 = tpu.memref_slice %arg2[%mul3A_2, %dma_wait3A_12] : memref<1024x512xf32, #tpu.memory_space<hbm>> -> memref<32x512xf32, #tpu.memory_space<hbm>>
      tpu.wait_dma2 semaphore(%run_scoped3A : memref<!tpu.dma_semaphore, #tpu.memory_space<semaphore_mem>>) src(%dma_wait3A_13 : memref<32x512xf32, #tpu.memory_space<hbm>>) dst(%arg4 : memref<32x512xf32, #tpu.memory_space<vmem>>)
      tpu.yield
    }) : () -> ()
    %scan3A = arith.constant 0 : i32
    %scan3A_3 = arith.constant 0 : i32
    %scan3A_4 = arith.constant 32 : i32
    %scan3A_5 = arith.addi %scan3A_3, %scan3A_4 : i32
    %scan3A_6 = arith.constant 1 : i32
    scf.for %scan3A_8 = %scan3A_3 to %scan3A_5 step %scan3A_6  : i32 {
      %broadcast_in_dim3A = arith.constant 9.99999997E-7 : f32
      %broadcast_in_dim3A_9 = vector.broadcast %broadcast_in_dim3A : f32 to vector<16xf32>
      %scan3A_10 = arith.constant 0 : i32
      %scan3A_11 = arith.constant 8 : i32
      %scan3A_12 = arith.addi %scan3A_10, %scan3A_11 : i32
      %scan3A_13 = arith.constant 1 : i32
      %scan3A_14 = scf.for %scan3A_18 = %scan3A_10 to %scan3A_12 step %scan3A_13 iter_args(%scan3A_19 = %broadcast_in_dim3A_9) -> (vector<16xf32>)  : i32 {
        %broadcast_in_dim3A_20 = arith.constant 0.000000e+00 : f32
        %broadcast_in_dim3A_21 = vector.broadcast %broadcast_in_dim3A_20 : f32 to vector<16xf32>
        %broadcast_in_dim3A_22 = arith.constant 0.000000e+00 : f32
        %broadcast_in_dim3A_23 = vector.broadcast %broadcast_in_dim3A_22 : f32 to vector<16xf32>
        %get3A = arith.index_cast %scan3A_8 : i32 to index
        %get3A_24 = arith.constant 0 : index
        %get3A_25 = tpu.vector_load %arg4[%get3A, %get3A_24] {strides = array<i32>} : memref<32x512xf32, #tpu.memory_space<vmem>>, vector<16xf32>,
        %add3A_26 = arith.addf %get3A_25, %scan3A_19 : vector<16xf32>
        %div3A = arith.constant 1.000000e+00 : f32
        %div3A_27 = vector.broadcast %div3A : f32 to vector<16xf32>
        %div3A_28 = arith.divf %div3A_27, %add3A_26 : vector<16xf32>
        %add3A_29 = arith.addf %broadcast_in_dim3A_21, %div3A_28 : vector<16xf32>
        %mul3A_30 = arith.mulf %div3A_28, %div3A_28 : vector<16xf32>
        %add3A_31 = arith.addf %broadcast_in_dim3A_23, %mul3A_30 : vector<16xf32>
        %get3A_32 = arith.index_cast %scan3A_8 : i32 to index
        %get3A_33 = arith.constant 16 : index
        %get3A_34 = tpu.vector_load %arg4[%get3A_32, %get3A_33] {strides = array<i32>} : memref<32x512xf32, #tpu.memory_space<vmem>>, vector<16xf32>,
        %add3A_35 = arith.addf %get3A_34, %scan3A_19 : vector<16xf32>
        %div3A_36 = arith.constant 1.000000e+00 : f32
        %div3A_37 = vector.broadcast %div3A_36 : f32 to vector<16xf32>
        %div3A_38 = arith.divf %div3A_37, %add3A_35 : vector<16xf32>
        %add3A_39 = arith.addf %add3A_29, %div3A_38 : vector<16xf32>
        %mul3A_40 = arith.mulf %div3A_38, %div3A_38 : vector<16xf32>
        %add3A_41 = arith.addf %add3A_31, %mul3A_40 : vector<16xf32>
        %get3A_42 = arith.index_cast %scan3A_8 : i32 to index
        %get3A_43 = arith.constant 32 : index
        %get3A_44 = tpu.vector_load %arg4[%get3A_42, %get3A_43] {strides = array<i32>} : memref<32x512xf32, #tpu.memory_space<vmem>>, vector<16xf32>,
        %add3A_45 = arith.addf %get3A_44, %scan3A_19 : vector<16xf32>
        %div3A_46 = arith.constant 1.000000e+00 : f32
        %div3A_47 = vector.broadcast %div3A_46 : f32 to vector<16xf32>
        %div3A_48 = arith.divf %div3A_47, %add3A_45 : vector<16xf32>
        %add3A_49 = arith.addf %add3A_39, %div3A_48 : vector<16xf32>
        %mul3A_50 = arith.mulf %div3A_48, %div3A_48 : vector<16xf32>
        %add3A_51 = arith.addf %add3A_41, %mul3A_50 : vector<16xf32>
        %get3A_52 = arith.index_cast %scan3A_8 : i32 to index
        %get3A_53 = arith.constant 48 : index
        %get3A_54 = tpu.vector_load %arg4[%get3A_52, %get3A_53] {strides = array<i32>} : memref<32x512xf32, #tpu.memory_space<vmem>>, vector<16xf32>,
        %add3A_55 = arith.addf %get3A_54, %scan3A_19 : vector<16xf32>
        %div3A_56 = arith.constant 1.000000e+00 : f32
        %div3A_57 = vector.broadcast %div3A_56 : f32 to vector<16xf32>
        %div3A_58 = arith.divf %div3A_57, %add3A_55 : vector<16xf32>
        %add3A_59 = arith.addf %add3A_49, %div3A_58 : vector<16xf32>
        %mul3A_60 = arith.mulf %div3A_58, %div3A_58 : vector<16xf32>
        %add3A_61 = arith.addf %add3A_51, %mul3A_60 : vector<16xf32>
        %get3A_62 = arith.index_cast %scan3A_8 : i32 to index
        %get3A_63 = arith.constant 64 : index
        %get3A_64 = tpu.vector_load %arg4[%get3A_62, %get3A_63] {strides = array<i32>} : memref<32x512xf32, #tpu.memory_space<vmem>>, vector<16xf32>,
        %add3A_65 = arith.addf %get3A_64, %scan3A_19 : vector<16xf32>
        %div3A_66 = arith.constant 1.000000e+00 : f32
        %div3A_67 = vector.broadcast %div3A_66 : f32 to vector<16xf32>
        %div3A_68 = arith.divf %div3A_67, %add3A_65 : vector<16xf32>
        %add3A_69 = arith.addf %add3A_59, %div3A_68 : vector<16xf32>
        %mul3A_70 = arith.mulf %div3A_68, %div3A_68 : vector<16xf32>
        %add3A_71 = arith.addf %add3A_61, %mul3A_70 : vector<16xf32>
        %get3A_72 = arith.index_cast %scan3A_8 : i32 to index
        %get3A_73 = arith.constant 80 : index
        %get3A_74 = tpu.vector_load %arg4[%get3A_72, %get3A_73] {strides = array<i32>} : memref<32x512xf32, #tpu.memory_space<vmem>>, vector<16xf32>,
        %add3A_75 = arith.addf %get3A_74, %scan3A_19 : vector<16xf32>
        %div3A_76 = arith.constant 1.000000e+00 : f32
        %div3A_77 = vector.broadcast %div3A_76 : f32 to vector<16xf32>
        %div3A_78 = arith.divf %div3A_77, %add3A_75 : vector<16xf32>
        %add3A_79 = arith.addf %add3A_69, %div3A_78 : vector<16xf32>
        %mul3A_80 = arith.mulf %div3A_78, %div3A_78 : vector<16xf32>
        %add3A_81 = arith.addf %add3A_71, %mul3A_80 : vector<16xf32>
        %get3A_82 = arith.index_cast %scan3A_8 : i32 to index
        %get3A_83 = arith.constant 96 : index
        %get3A_84 = tpu.vector_load %arg4[%get3A_82, %get3A_83] {strides = array<i32>} : memref<32x512xf32, #tpu.memory_space<vmem>>, vector<16xf32>,
        %add3A_85 = arith.addf %get3A_84, %scan3A_19 : vector<16xf32>
        %div3A_86 = arith.constant 1.000000e+00 : f32
        %div3A_87 = vector.broadcast %div3A_86 : f32 to vector<16xf32>
        %div3A_88 = arith.divf %div3A_87, %add3A_85 : vector<16xf32>
        %add3A_89 = arith.addf %add3A_79, %div3A_88 : vector<16xf32>
        %mul3A_90 = arith.mulf %div3A_88, %div3A_88 : vector<16xf32>
        %add3A_91 = arith.addf %add3A_81, %mul3A_90 : vector<16xf32>
        %get3A_92 = arith.index_cast %scan3A_8 : i32 to index
        %get3A_93 = arith.constant 112 : index
        %get3A_94 = tpu.vector_load %arg4[%get3A_92, %get3A_93] {strides = array<i32>} : memref<32x512xf32, #tpu.memory_space<vmem>>, vector<16xf32>,
        %add3A_95 = arith.addf %get3A_94, %scan3A_19 : vector<16xf32>
        %div3A_96 = arith.constant 1.000000e+00 : f32
        %div3A_97 = vector.broadcast %div3A_96 : f32 to vector<16xf32>
        %div3A_98 = arith.divf %div3A_97, %add3A_95 : vector<16xf32>
        %add3A_99 = arith.addf %add3A_89, %div3A_98 : vector<16xf32>
        %mul3A_100 = arith.mulf %div3A_98, %div3A_98 : vector<16xf32>
        %add3A_101 = arith.addf %add3A_91, %mul3A_100 : vector<16xf32>
        %get3A_102 = arith.index_cast %scan3A_8 : i32 to index
        %get3A_103 = arith.constant 128 : index
        %get3A_104 = tpu.vector_load %arg4[%get3A_102, %get3A_103] {strides = array<i32>} : memref<32x512xf32, #tpu.memory_space<vmem>>, vector<16xf32>,
        %add3A_105 = arith.addf %get3A_104, %scan3A_19 : vector<16xf32>
        %div3A_106 = arith.constant 1.000000e+00 : f32
        %div3A_107 = vector.broadcast %div3A_106 : f32 to vector<16xf32>
        %div3A_108 = arith.divf %div3A_107, %add3A_105 : vector<16xf32>
        %add3A_109 = arith.addf %add3A_99, %div3A_108 : vector<16xf32>
        %mul3A_110 = arith.mulf %div3A_108, %div3A_108 : vector<16xf32>
        %add3A_111 = arith.addf %add3A_101, %mul3A_110 : vector<16xf32>
        %get3A_112 = arith.index_cast %scan3A_8 : i32 to index
        %get3A_113 = arith.constant 144 : index
        %get3A_114 = tpu.vector_load %arg4[%get3A_112, %get3A_113] {strides = array<i32>} : memref<32x512xf32, #tpu.memory_space<vmem>>, vector<16xf32>,
        %add3A_115 = arith.addf %get3A_114, %scan3A_19 : vector<16xf32>
        %div3A_116 = arith.constant 1.000000e+00 : f32
        %div3A_117 = vector.broadcast %div3A_116 : f32 to vector<16xf32>
        %div3A_118 = arith.divf %div3A_117, %add3A_115 : vector<16xf32>
        %add3A_119 = arith.addf %add3A_109, %div3A_118 : vector<16xf32>
        %mul3A_120 = arith.mulf %div3A_118, %div3A_118 : vector<16xf32>
        %add3A_121 = arith.addf %add3A_111, %mul3A_120 : vector<16xf32>
        %get3A_122 = arith.index_cast %scan3A_8 : i32 to index
        %get3A_123 = arith.constant 160 : index
        %get3A_124 = tpu.vector_load %arg4[%get3A_122, %get3A_123] {strides = array<i32>} : memref<32x512xf32, #tpu.memory_space<vmem>>, vector<16xf32>,
        %add3A_125 = arith.addf %get3A_124, %scan3A_19 : vector<16xf32>
        %div3A_126 = arith.constant 1.000000e+00 : f32
        %div3A_127 = vector.broadcast %div3A_126 : f32 to vector<16xf32>
        %div3A_128 = arith.divf %div3A_127, %add3A_125 : vector<16xf32>
        %add3A_129 = arith.addf %add3A_119, %div3A_128 : vector<16xf32>
        %mul3A_130 = arith.mulf %div3A_128, %div3A_128 : vector<16xf32>
        %add3A_131 = arith.addf %add3A_121, %mul3A_130 : vector<16xf32>
        %get3A_132 = arith.index_cast %scan3A_8 : i32 to index
        %get3A_133 = arith.constant 176 : index
        %get3A_134 = tpu.vector_load %arg4[%get3A_132, %get3A_133] {strides = array<i32>} : memref<32x512xf32, #tpu.memory_space<vmem>>, vector<16xf32>,
        %add3A_135 = arith.addf %get3A_134, %scan3A_19 : vector<16xf32>
        %div3A_136 = arith.constant 1.000000e+00 : f32
        %div3A_137 = vector.broadcast %div3A_136 : f32 to vector<16xf32>
        %div3A_138 = arith.divf %div3A_137, %add3A_135 : vector<16xf32>
        %add3A_139 = arith.addf %add3A_129, %div3A_138 : vector<16xf32>
        %mul3A_140 = arith.mulf %div3A_138, %div3A_138 : vector<16xf32>
        %add3A_141 = arith.addf %add3A_131, %mul3A_140 : vector<16xf32>
        %get3A_142 = arith.index_cast %scan3A_8 : i32 to index
        %get3A_143 = arith.constant 192 : index
        %get3A_144 = tpu.vector_load %arg4[%get3A_142, %get3A_143] {strides = array<i32>} : memref<32x512xf32, #tpu.memory_space<vmem>>, vector<16xf32>,
        %add3A_145 = arith.addf %get3A_144, %scan3A_19 : vector<16xf32>
        %div3A_146 = arith.constant 1.000000e+00 : f32
        %div3A_147 = vector.broadcast %div3A_146 : f32 to vector<16xf32>
        %div3A_148 = arith.divf %div3A_147, %add3A_145 : vector<16xf32>
        %add3A_149 = arith.addf %add3A_139, %div3A_148 : vector<16xf32>
        %mul3A_150 = arith.mulf %div3A_148, %div3A_148 : vector<16xf32>
        %add3A_151 = arith.addf %add3A_141, %mul3A_150 : vector<16xf32>
        %get3A_152 = arith.index_cast %scan3A_8 : i32 to index
        %get3A_153 = arith.constant 208 : index
        %get3A_154 = tpu.vector_load %arg4[%get3A_152, %get3A_153] {strides = array<i32>} : memref<32x512xf32, #tpu.memory_space<vmem>>, vector<16xf32>,
        %add3A_155 = arith.addf %get3A_154, %scan3A_19 : vector<16xf32>
        %div3A_156 = arith.constant 1.000000e+00 : f32
        %div3A_157 = vector.broadcast %div3A_156 : f32 to vector<16xf32>
        %div3A_158 = arith.divf %div3A_157, %add3A_155 : vector<16xf32>
        %add3A_159 = arith.addf %add3A_149, %div3A_158 : vector<16xf32>
        %mul3A_160 = arith.mulf %div3A_158, %div3A_158 : vector<16xf32>
        %add3A_161 = arith.addf %add3A_151, %mul3A_160 : vector<16xf32>
        %get3A_162 = arith.index_cast %scan3A_8 : i32 to index
        %get3A_163 = arith.constant 224 : index
        %get3A_164 = tpu.vector_load %arg4[%get3A_162, %get3A_163] {strides = array<i32>} : memref<32x512xf32, #tpu.memory_space<vmem>>, vector<16xf32>,
        %add3A_165 = arith.addf %get3A_164, %scan3A_19 : vector<16xf32>
        %div3A_166 = arith.constant 1.000000e+00 : f32
        %div3A_167 = vector.broadcast %div3A_166 : f32 to vector<16xf32>
        %div3A_168 = arith.divf %div3A_167, %add3A_165 : vector<16xf32>
        %add3A_169 = arith.addf %add3A_159, %div3A_168 : vector<16xf32>
        %mul3A_170 = arith.mulf %div3A_168, %div3A_168 : vector<16xf32>
        %add3A_171 = arith.addf %add3A_161, %mul3A_170 : vector<16xf32>
        %get3A_172 = arith.index_cast %scan3A_8 : i32 to index
        %get3A_173 = arith.constant 240 : index
        %get3A_174 = tpu.vector_load %arg4[%get3A_172, %get3A_173] {strides = array<i32>} : memref<32x512xf32, #tpu.memory_space<vmem>>, vector<16xf32>,
        %add3A_175 = arith.addf %get3A_174, %scan3A_19 : vector<16xf32>
        %div3A_176 = arith.constant 1.000000e+00 : f32
        %div3A_177 = vector.broadcast %div3A_176 : f32 to vector<16xf32>
        %div3A_178 = arith.divf %div3A_177, %add3A_175 : vector<16xf32>
        %add3A_179 = arith.addf %add3A_169, %div3A_178 : vector<16xf32>
        %mul3A_180 = arith.mulf %div3A_178, %div3A_178 : vector<16xf32>
        %add3A_181 = arith.addf %add3A_171, %mul3A_180 : vector<16xf32>
        %get3A_182 = arith.index_cast %scan3A_8 : i32 to index
        %get3A_183 = arith.constant 256 : index
        %get3A_184 = tpu.vector_load %arg4[%get3A_182, %get3A_183] {strides = array<i32>} : memref<32x512xf32, #tpu.memory_space<vmem>>, vector<16xf32>,
        %add3A_185 = arith.addf %get3A_184, %scan3A_19 : vector<16xf32>
        %div3A_186 = arith.constant 1.000000e+00 : f32
        %div3A_187 = vector.broadcast %div3A_186 : f32 to vector<16xf32>
        %div3A_188 = arith.divf %div3A_187, %add3A_185 : vector<16xf32>
        %add3A_189 = arith.addf %add3A_179, %div3A_188 : vector<16xf32>
        %mul3A_190 = arith.mulf %div3A_188, %div3A_188 : vector<16xf32>
        %add3A_191 = arith.addf %add3A_181, %mul3A_190 : vector<16xf32>
        %get3A_192 = arith.index_cast %scan3A_8 : i32 to index
        %get3A_193 = arith.constant 272 : index
        %get3A_194 = tpu.vector_load %arg4[%get3A_192, %get3A_193] {strides = array<i32>} : memref<32x512xf32, #tpu.memory_space<vmem>>, vector<16xf32>,
        %add3A_195 = arith.addf %get3A_194, %scan3A_19 : vector<16xf32>
        %div3A_196 = arith.constant 1.000000e+00 : f32
        %div3A_197 = vector.broadcast %div3A_196 : f32 to vector<16xf32>
        %div3A_198 = arith.divf %div3A_197, %add3A_195 : vector<16xf32>
        %add3A_199 = arith.addf %add3A_189, %div3A_198 : vector<16xf32>
        %mul3A_200 = arith.mulf %div3A_198, %div3A_198 : vector<16xf32>
        %add3A_201 = arith.addf %add3A_191, %mul3A_200 : vector<16xf32>
        %get3A_202 = arith.index_cast %scan3A_8 : i32 to index
        %get3A_203 = arith.constant 288 : index
        %get3A_204 = tpu.vector_load %arg4[%get3A_202, %get3A_203] {strides = array<i32>} : memref<32x512xf32, #tpu.memory_space<vmem>>, vector<16xf32>,
        %add3A_205 = arith.addf %get3A_204, %scan3A_19 : vector<16xf32>
        %div3A_206 = arith.constant 1.000000e+00 : f32
        %div3A_207 = vector.broadcast %div3A_206 : f32 to vector<16xf32>
        %div3A_208 = arith.divf %div3A_207, %add3A_205 : vector<16xf32>
        %add3A_209 = arith.addf %add3A_199, %div3A_208 : vector<16xf32>
        %mul3A_210 = arith.mulf %div3A_208, %div3A_208 : vector<16xf32>
        %add3A_211 = arith.addf %add3A_201, %mul3A_210 : vector<16xf32>
        %get3A_212 = arith.index_cast %scan3A_8 : i32 to index
        %get3A_213 = arith.constant 304 : index
        %get3A_214 = tpu.vector_load %arg4[%get3A_212, %get3A_213] {strides = array<i32>} : memref<32x512xf32, #tpu.memory_space<vmem>>, vector<16xf32>,
        %add3A_215 = arith.addf %get3A_214, %scan3A_19 : vector<16xf32>
        %div3A_216 = arith.constant 1.000000e+00 : f32
        %div3A_217 = vector.broadcast %div3A_216 : f32 to vector<16xf32>
        %div3A_218 = arith.divf %div3A_217, %add3A_215 : vector<16xf32>
        %add3A_219 = arith.addf %add3A_209, %div3A_218 : vector<16xf32>
        %mul3A_220 = arith.mulf %div3A_218, %div3A_218 : vector<16xf32>
        %add3A_221 = arith.addf %add3A_211, %mul3A_220 : vector<16xf32>
        %get3A_222 = arith.index_cast %scan3A_8 : i32 to index
        %get3A_223 = arith.constant 320 : index
        %get3A_224 = tpu.vector_load %arg4[%get3A_222, %get3A_223] {strides = array<i32>} : memref<32x512xf32, #tpu.memory_space<vmem>>, vector<16xf32>,
        %add3A_225 = arith.addf %get3A_224, %scan3A_19 : vector<16xf32>
        %div3A_226 = arith.constant 1.000000e+00 : f32
        %div3A_227 = vector.broadcast %div3A_226 : f32 to vector<16xf32>
        %div3A_228 = arith.divf %div3A_227, %add3A_225 : vector<16xf32>
        %add3A_229 = arith.addf %add3A_219, %div3A_228 : vector<16xf32>
        %mul3A_230 = arith.mulf %div3A_228, %div3A_228 : vector<16xf32>
        %add3A_231 = arith.addf %add3A_221, %mul3A_230 : vector<16xf32>
        %get3A_232 = arith.index_cast %scan3A_8 : i32 to index
        %get3A_233 = arith.constant 336 : index
        %get3A_234 = tpu.vector_load %arg4[%get3A_232, %get3A_233] {strides = array<i32>} : memref<32x512xf32, #tpu.memory_space<vmem>>, vector<16xf32>,
        %add3A_235 = arith.addf %get3A_234, %scan3A_19 : vector<16xf32>
        %div3A_236 = arith.constant 1.000000e+00 : f32
        %div3A_237 = vector.broadcast %div3A_236 : f32 to vector<16xf32>
        %div3A_238 = arith.divf %div3A_237, %add3A_235 : vector<16xf32>
        %add3A_239 = arith.addf %add3A_229, %div3A_238 : vector<16xf32>
        %mul3A_240 = arith.mulf %div3A_238, %div3A_238 : vector<16xf32>
        %add3A_241 = arith.addf %add3A_231, %mul3A_240 : vector<16xf32>
        %get3A_242 = arith.index_cast %scan3A_8 : i32 to index
        %get3A_243 = arith.constant 352 : index
        %get3A_244 = tpu.vector_load %arg4[%get3A_242, %get3A_243] {strides = array<i32>} : memref<32x512xf32, #tpu.memory_space<vmem>>, vector<16xf32>,
        %add3A_245 = arith.addf %get3A_244, %scan3A_19 : vector<16xf32>
        %div3A_246 = arith.constant 1.000000e+00 : f32
        %div3A_247 = vector.broadcast %div3A_246 : f32 to vector<16xf32>
        %div3A_248 = arith.divf %div3A_247, %add3A_245 : vector<16xf32>
        %add3A_249 = arith.addf %add3A_239, %div3A_248 : vector<16xf32>
        %mul3A_250 = arith.mulf %div3A_248, %div3A_248 : vector<16xf32>
        %add3A_251 = arith.addf %add3A_241, %mul3A_250 : vector<16xf32>
        %get3A_252 = arith.index_cast %scan3A_8 : i32 to index
        %get3A_253 = arith.constant 368 : index
        %get3A_254 = tpu.vector_load %arg4[%get3A_252, %get3A_253] {strides = array<i32>} : memref<32x512xf32, #tpu.memory_space<vmem>>, vector<16xf32>,
        %add3A_255 = arith.addf %get3A_254, %scan3A_19 : vector<16xf32>
        %div3A_256 = arith.constant 1.000000e+00 : f32
        %div3A_257 = vector.broadcast %div3A_256 : f32 to vector<16xf32>
        %div3A_258 = arith.divf %div3A_257, %add3A_255 : vector<16xf32>
        %add3A_259 = arith.addf %add3A_249, %div3A_258 : vector<16xf32>
        %mul3A_260 = arith.mulf %div3A_258, %div3A_258 : vector<16xf32>
        %add3A_261 = arith.addf %add3A_251, %mul3A_260 : vector<16xf32>
        %get3A_262 = arith.index_cast %scan3A_8 : i32 to index
        %get3A_263 = arith.constant 384 : index
        %get3A_264 = tpu.vector_load %arg4[%get3A_262, %get3A_263] {strides = array<i32>} : memref<32x512xf32, #tpu.memory_space<vmem>>, vector<16xf32>,
        %add3A_265 = arith.addf %get3A_264, %scan3A_19 : vector<16xf32>
        %div3A_266 = arith.constant 1.000000e+00 : f32
        %div3A_267 = vector.broadcast %div3A_266 : f32 to vector<16xf32>
        %div3A_268 = arith.divf %div3A_267, %add3A_265 : vector<16xf32>
        %add3A_269 = arith.addf %add3A_259, %div3A_268 : vector<16xf32>
        %mul3A_270 = arith.mulf %div3A_268, %div3A_268 : vector<16xf32>
        %add3A_271 = arith.addf %add3A_261, %mul3A_270 : vector<16xf32>
        %get3A_272 = arith.index_cast %scan3A_8 : i32 to index
        %get3A_273 = arith.constant 400 : index
        %get3A_274 = tpu.vector_load %arg4[%get3A_272, %get3A_273] {strides = array<i32>} : memref<32x512xf32, #tpu.memory_space<vmem>>, vector<16xf32>,
        %add3A_275 = arith.addf %get3A_274, %scan3A_19 : vector<16xf32>
        %div3A_276 = arith.constant 1.000000e+00 : f32
        %div3A_277 = vector.broadcast %div3A_276 : f32 to vector<16xf32>
        %div3A_278 = arith.divf %div3A_277, %add3A_275 : vector<16xf32>
        %add3A_279 = arith.addf %add3A_269, %div3A_278 : vector<16xf32>
        %mul3A_280 = arith.mulf %div3A_278, %div3A_278 : vector<16xf32>
        %add3A_281 = arith.addf %add3A_271, %mul3A_280 : vector<16xf32>
        %get3A_282 = arith.index_cast %scan3A_8 : i32 to index
        %get3A_283 = arith.constant 416 : index
        %get3A_284 = tpu.vector_load %arg4[%get3A_282, %get3A_283] {strides = array<i32>} : memref<32x512xf32, #tpu.memory_space<vmem>>, vector<16xf32>,
        %add3A_285 = arith.addf %get3A_284, %scan3A_19 : vector<16xf32>
        %div3A_286 = arith.constant 1.000000e+00 : f32
        %div3A_287 = vector.broadcast %div3A_286 : f32 to vector<16xf32>
        %div3A_288 = arith.divf %div3A_287, %add3A_285 : vector<16xf32>
        %add3A_289 = arith.addf %add3A_279, %div3A_288 : vector<16xf32>
        %mul3A_290 = arith.mulf %div3A_288, %div3A_288 : vector<16xf32>
        %add3A_291 = arith.addf %add3A_281, %mul3A_290 : vector<16xf32>
        %get3A_292 = arith.index_cast %scan3A_8 : i32 to index
        %get3A_293 = arith.constant 432 : index
        %get3A_294 = tpu.vector_load %arg4[%get3A_292, %get3A_293] {strides = array<i32>} : memref<32x512xf32, #tpu.memory_space<vmem>>, vector<16xf32>,
        %add3A_295 = arith.addf %get3A_294, %scan3A_19 : vector<16xf32>
        %div3A_296 = arith.constant 1.000000e+00 : f32
        %div3A_297 = vector.broadcast %div3A_296 : f32 to vector<16xf32>
        %div3A_298 = arith.divf %div3A_297, %add3A_295 : vector<16xf32>
        %add3A_299 = arith.addf %add3A_289, %div3A_298 : vector<16xf32>
        %mul3A_300 = arith.mulf %div3A_298, %div3A_298 : vector<16xf32>
        %add3A_301 = arith.addf %add3A_291, %mul3A_300 : vector<16xf32>
        %get3A_302 = arith.index_cast %scan3A_8 : i32 to index
        %get3A_303 = arith.constant 448 : index
        %get3A_304 = tpu.vector_load %arg4[%get3A_302, %get3A_303] {strides = array<i32>} : memref<32x512xf32, #tpu.memory_space<vmem>>, vector<16xf32>,
        %add3A_305 = arith.addf %get3A_304, %scan3A_19 : vector<16xf32>
        %div3A_306 = arith.constant 1.000000e+00 : f32
        %div3A_307 = vector.broadcast %div3A_306 : f32 to vector<16xf32>
        %div3A_308 = arith.divf %div3A_307, %add3A_305 : vector<16xf32>
        %add3A_309 = arith.addf %add3A_299, %div3A_308 : vector<16xf32>
        %mul3A_310 = arith.mulf %div3A_308, %div3A_308 : vector<16xf32>
        %add3A_311 = arith.addf %add3A_301, %mul3A_310 : vector<16xf32>
        %get3A_312 = arith.index_cast %scan3A_8 : i32 to index
        %get3A_313 = arith.constant 464 : index
        %get3A_314 = tpu.vector_load %arg4[%get3A_312, %get3A_313] {strides = array<i32>} : memref<32x512xf32, #tpu.memory_space<vmem>>, vector<16xf32>,
        %add3A_315 = arith.addf %get3A_314, %scan3A_19 : vector<16xf32>
        %div3A_316 = arith.constant 1.000000e+00 : f32
        %div3A_317 = vector.broadcast %div3A_316 : f32 to vector<16xf32>
        %div3A_318 = arith.divf %div3A_317, %add3A_315 : vector<16xf32>
        %add3A_319 = arith.addf %add3A_309, %div3A_318 : vector<16xf32>
        %mul3A_320 = arith.mulf %div3A_318, %div3A_318 : vector<16xf32>
        %add3A_321 = arith.addf %add3A_311, %mul3A_320 : vector<16xf32>
        %get3A_322 = arith.index_cast %scan3A_8 : i32 to index
        %get3A_323 = arith.constant 480 : index
        %get3A_324 = tpu.vector_load %arg4[%get3A_322, %get3A_323] {strides = array<i32>} : memref<32x512xf32, #tpu.memory_space<vmem>>, vector<16xf32>,
        %add3A_325 = arith.addf %get3A_324, %scan3A_19 : vector<16xf32>
        %div3A_326 = arith.constant 1.000000e+00 : f32
        %div3A_327 = vector.broadcast %div3A_326 : f32 to vector<16xf32>
        %div3A_328 = arith.divf %div3A_327, %add3A_325 : vector<16xf32>
        %add3A_329 = arith.addf %add3A_319, %div3A_328 : vector<16xf32>
        %mul3A_330 = arith.mulf %div3A_328, %div3A_328 : vector<16xf32>
        %add3A_331 = arith.addf %add3A_321, %mul3A_330 : vector<16xf32>
        %get3A_332 = arith.index_cast %scan3A_8 : i32 to index
        %get3A_333 = arith.constant 496 : index
        %get3A_334 = tpu.vector_load %arg4[%get3A_332, %get3A_333] {strides = array<i32>} : memref<32x512xf32, #tpu.memory_space<vmem>>, vector<16xf32>,
        %add3A_335 = arith.addf %get3A_334, %scan3A_19 : vector<16xf32>
        %div3A_336 = arith.constant 1.000000e+00 : f32
        %div3A_337 = vector.broadcast %div3A_336 : f32 to vector<16xf32>
        %div3A_338 = arith.divf %div3A_337, %add3A_335 : vector<16xf32>
        %add3A_339 = arith.addf %add3A_329, %div3A_338 : vector<16xf32>
        %mul3A_340 = arith.mulf %div3A_338, %div3A_338 : vector<16xf32>
        %add3A_341 = arith.addf %add3A_331, %mul3A_340 : vector<16xf32>
        %reduce_sum3A = arith.constant true
        %reduce_sum3A_342 = vector.broadcast %reduce_sum3A : i1 to vector<16xi1>
        %reduce_sum3A_343 = tpu.scan <sum>, %add3A_339 masked %reduce_sum3A_342 : vector<16xf32>, vector<16xi1> -> vector<16xf32>
        %reduce_sum3A_344 = vector.extract %reduce_sum3A_343[15] : f32 from vector<16xf32>
        %reduce_sum3A_345 = arith.constant true
        %reduce_sum3A_346 = vector.broadcast %reduce_sum3A_345 : i1 to vector<16xi1>
        %reduce_sum3A_347 = tpu.scan <sum>, %add3A_341 masked %reduce_sum3A_346 : vector<16xf32>, vector<16xi1> -> vector<16xf32>
        %reduce_sum3A_348 = vector.extract %reduce_sum3A_347[15] : f32 from vector<16xf32>
        %mul3A_349 = vector.broadcast %reduce_sum3A_344 : f32 to vector<16xf32>
        %mul3A_350 = arith.mulf %scan3A_19, %mul3A_349 : vector<16xf32>
        %sub3A = arith.constant 1.000000e+02 : f32
        %sub3A_351 = vector.broadcast %sub3A : f32 to vector<16xf32>
        %sub3A_352 = arith.subf %mul3A_350, %sub3A_351 : vector<16xf32>
        %mul3A_353 = vector.broadcast %reduce_sum3A_348 : f32 to vector<16xf32>
        %mul3A_354 = arith.mulf %scan3A_19, %mul3A_353 : vector<16xf32>
        %sub3A_355 = vector.broadcast %reduce_sum3A_344 : f32 to vector<16xf32>
        %sub3A_356 = arith.subf %sub3A_355, %mul3A_354 : vector<16xf32>
        %div3A_357 = arith.divf %sub3A_352, %sub3A_356 : vector<16xf32>
        %sub3A_358 = arith.subf %scan3A_19, %div3A_357 : vector<16xf32>
        %abs3A = math.absf %sub3A_358 : vector<16xf32>
        scf.yield %abs3A : vector<16xf32>
      }
      %scan3A_15 = arith.constant 8 : i32
      %swap3A = arith.index_cast %scan3A_8 : i32 to index
      %swap3A_16 = arith.constant 0 : index
      %swap3A_17 = tpu.vector_load %arg5[%swap3A, %swap3A_16] {strides = array<i32>} : memref<32x16xf32, #tpu.memory_space<vmem>>, vector<16xf32>,
      tpu.vector_store %arg5[%swap3A, %swap3A_16], %scan3A_14 {strides = array<i32>} : memref<32x16xf32, #tpu.memory_space<vmem>>, vector<16xf32>,
    }
    %scan3A_7 = arith.constant 32 : i32
    "tpu.region"() ({
      %run_scoped3A = tpu.sem_alloc : memref<!tpu.dma_semaphore, #tpu.memory_space<semaphore_mem>>
      %dma_start3A = arith.constant 0 : i32
      %dma_start3A_8 = tpu.memref_slice %arg3[%mul3A_2, %dma_start3A] : memref<1024x16xf32, #tpu.memory_space<hbm>> -> memref<32x16xf32, #tpu.memory_space<hbm>>
      %dma_start3A_9 = arith.constant 0 : i32
      %dma_start3A_10 = tpu.memref_slice %arg3[%mul3A_2, %dma_start3A_9] : memref<1024x16xf32, #tpu.memory_space<hbm>> -> memref<32x16xf32, #tpu.memory_space<hbm>>
      tpu.enqueue_dma source(%arg5 : memref<32x16xf32, #tpu.memory_space<vmem>>) target(%dma_start3A_10 : memref<32x16xf32, #tpu.memory_space<hbm>>) target_semaphore(%run_scoped3A : memref<!tpu.dma_semaphore, #tpu.memory_space<semaphore_mem>>)
      %dma_wait3A = arith.constant 0 : i32
      %dma_wait3A_11 = tpu.memref_slice %arg3[%mul3A_2, %dma_wait3A] : memref<1024x16xf32, #tpu.memory_space<hbm>> -> memref<32x16xf32, #tpu.memory_space<hbm>>
      %dma_wait3A_12 = arith.constant 0 : i32
      %dma_wait3A_13 = tpu.memref_slice %arg3[%mul3A_2, %dma_wait3A_12] : memref<1024x16xf32, #tpu.memory_space<hbm>> -> memref<32x16xf32, #tpu.memory_space<hbm>>
      tpu.wait_dma2 semaphore(%run_scoped3A : memref<!tpu.dma_semaphore, #tpu.memory_space<semaphore_mem>>) src(%arg5 : memref<32x16xf32, #tpu.memory_space<vmem>>) dst(%dma_wait3A_13 : memref<32x16xf32, #tpu.memory_space<hbm>>)
      tpu.yield
    }) : () -> ()
    return
  }
}

#map = affine_map<(d0, d1) -> (0, 0)>
module attributes {stable_mosaic.version = 14 : i64} {
  func.func @_sc_newton(%arg0: i32, %arg1: i32, %arg2: memref<1024x512xf32, #tpu.memory_space<hbm>>, %arg3: memref<1024x16xf32, #tpu.memory_space<hbm>>, %arg4: memref<32x512xf32, #tpu.memory_space<vmem>>, %arg5: memref<32x16xf32, #tpu.memory_space<vmem>>) attributes {dimension_semantics = [#tpu.dimension_semantics<core_parallel>, #tpu.dimension_semantics<subcore_parallel>], iteration_bounds = array<i64: 2, 16>, scalar_prefetch = 0 : i64, scratch_operands = 2 : i64, tpu.core_type = #tpu.core_type<sc_vector_subcore>, window_params = [{transform_indices = #map}, {transform_indices = #map}]} {
    %mul3A = arith.constant 2 : i32
    %mul3A_0 = arith.muli %arg1, %mul3A : i32
    %add3A = arith.addi %mul3A_0, %arg0 : i32
    %mul3A_1 = arith.constant 32 : i32
    %mul3A_2 = arith.muli %add3A, %mul3A_1 : i32
    "tpu.region"() ({
      %run_scoped3A = tpu.sem_alloc : memref<!tpu.dma_semaphore, #tpu.memory_space<semaphore_mem>>
      %dma_start3A = arith.constant 0 : i32
      %dma_start3A_8 = tpu.memref_slice %arg2[%mul3A_2, %dma_start3A] : memref<1024x512xf32, #tpu.memory_space<hbm>> -> memref<32x512xf32, #tpu.memory_space<hbm>>
      %dma_start3A_9 = arith.constant 0 : i32
      %dma_start3A_10 = tpu.memref_slice %arg2[%mul3A_2, %dma_start3A_9] : memref<1024x512xf32, #tpu.memory_space<hbm>> -> memref<32x512xf32, #tpu.memory_space<hbm>>
      tpu.enqueue_dma source(%dma_start3A_10 : memref<32x512xf32, #tpu.memory_space<hbm>>) target(%arg4 : memref<32x512xf32, #tpu.memory_space<vmem>>) target_semaphore(%run_scoped3A : memref<!tpu.dma_semaphore, #tpu.memory_space<semaphore_mem>>)
      %dma_wait3A = arith.constant 0 : i32
      %dma_wait3A_11 = tpu.memref_slice %arg2[%mul3A_2, %dma_wait3A] : memref<1024x512xf32, #tpu.memory_space<hbm>> -> memref<32x512xf32, #tpu.memory_space<hbm>>
      %dma_wait3A_12 = arith.constant 0 : i32
      %dma_wait3A_13 = tpu.memref_slice %arg2[%mul3A_2, %dma_wait3A_12] : memref<1024x512xf32, #tpu.memory_space<hbm>> -> memref<32x512xf32, #tpu.memory_space<hbm>>
      tpu.wait_dma2 semaphore(%run_scoped3A : memref<!tpu.dma_semaphore, #tpu.memory_space<semaphore_mem>>) src(%dma_wait3A_13 : memref<32x512xf32, #tpu.memory_space<hbm>>) dst(%arg4 : memref<32x512xf32, #tpu.memory_space<vmem>>)
      tpu.yield
    }) : () -> ()
    %scan3A = arith.constant 0 : i32
    %scan3A_3 = arith.constant 0 : i32
    %scan3A_4 = arith.constant 32 : i32
    %scan3A_5 = arith.addi %scan3A_3, %scan3A_4 : i32
    %scan3A_6 = arith.constant 1 : i32
    scf.for %scan3A_8 = %scan3A_3 to %scan3A_5 step %scan3A_6  : i32 {
      %broadcast_in_dim3A = arith.constant 9.99999997E-7 : f32
      %broadcast_in_dim3A_9 = vector.broadcast %broadcast_in_dim3A : f32 to vector<16xf32>
      %scan3A_10 = arith.constant 0 : i32
      %scan3A_11 = arith.constant 8 : i32
      %scan3A_12 = arith.addi %scan3A_10, %scan3A_11 : i32
      %scan3A_13 = arith.constant 1 : i32
      %scan3A_14 = scf.for %scan3A_18 = %scan3A_10 to %scan3A_12 step %scan3A_13 iter_args(%scan3A_19 = %broadcast_in_dim3A_9) -> (vector<16xf32>)  : i32 {
        %broadcast_in_dim3A_20 = arith.constant 0.000000e+00 : f32
        %broadcast_in_dim3A_21 = vector.broadcast %broadcast_in_dim3A_20 : f32 to vector<16xf32>
        %broadcast_in_dim3A_22 = arith.constant 0.000000e+00 : f32
        %broadcast_in_dim3A_23 = vector.broadcast %broadcast_in_dim3A_22 : f32 to vector<16xf32>
        %get3A = arith.index_cast %scan3A_8 : i32 to index
        %get3A_24 = arith.constant 0 : index
        %get3A_25 = tpu.vector_load %arg4[%get3A, %get3A_24] {strides = array<i32>} : memref<32x512xf32, #tpu.memory_space<vmem>>, vector<16xf32>,
        %add3A_26 = arith.addf %get3A_25, %scan3A_19 : vector<16xf32>
        %div3A = arith.constant 1.000000e+00 : f32
        %div3A_27 = vector.broadcast %div3A : f32 to vector<16xf32>
        %div3A_28 = arith.divf %div3A_27, %add3A_26 : vector<16xf32>
        %add3A_29 = arith.addf %broadcast_in_dim3A_21, %div3A_28 : vector<16xf32>
        %mul3A_30 = arith.mulf %div3A_28, %div3A_28 : vector<16xf32>
        %add3A_31 = arith.addf %broadcast_in_dim3A_23, %mul3A_30 : vector<16xf32>
        %get3A_32 = arith.index_cast %scan3A_8 : i32 to index
        %get3A_33 = arith.constant 16 : index
        %get3A_34 = tpu.vector_load %arg4[%get3A_32, %get3A_33] {strides = array<i32>} : memref<32x512xf32, #tpu.memory_space<vmem>>, vector<16xf32>,
        %add3A_35 = arith.addf %get3A_34, %scan3A_19 : vector<16xf32>
        %div3A_36 = arith.constant 1.000000e+00 : f32
        %div3A_37 = vector.broadcast %div3A_36 : f32 to vector<16xf32>
        %div3A_38 = arith.divf %div3A_37, %add3A_35 : vector<16xf32>
        %add3A_39 = arith.addf %add3A_29, %div3A_38 : vector<16xf32>
        %mul3A_40 = arith.mulf %div3A_38, %div3A_38 : vector<16xf32>
        %add3A_41 = arith.addf %add3A_31, %mul3A_40 : vector<16xf32>
        %get3A_42 = arith.index_cast %scan3A_8 : i32 to index
        %get3A_43 = arith.constant 32 : index
        %get3A_44 = tpu.vector_load %arg4[%get3A_42, %get3A_43] {strides = array<i32>} : memref<32x512xf32, #tpu.memory_space<vmem>>, vector<16xf32>,
        %add3A_45 = arith.addf %get3A_44, %scan3A_19 : vector<16xf32>
        %div3A_46 = arith.constant 1.000000e+00 : f32
        %div3A_47 = vector.broadcast %div3A_46 : f32 to vector<16xf32>
        %div3A_48 = arith.divf %div3A_47, %add3A_45 : vector<16xf32>
        %add3A_49 = arith.addf %add3A_39, %div3A_48 : vector<16xf32>
        %mul3A_50 = arith.mulf %div3A_48, %div3A_48 : vector<16xf32>
        %add3A_51 = arith.addf %add3A_41, %mul3A_50 : vector<16xf32>
        %get3A_52 = arith.index_cast %scan3A_8 : i32 to index
        %get3A_53 = arith.constant 48 : index
        %get3A_54 = tpu.vector_load %arg4[%get3A_52, %get3A_53] {strides = array<i32>} : memref<32x512xf32, #tpu.memory_space<vmem>>, vector<16xf32>,
        %add3A_55 = arith.addf %get3A_54, %scan3A_19 : vector<16xf32>
        %div3A_56 = arith.constant 1.000000e+00 : f32
        %div3A_57 = vector.broadcast %div3A_56 : f32 to vector<16xf32>
        %div3A_58 = arith.divf %div3A_57, %add3A_55 : vector<16xf32>
        %add3A_59 = arith.addf %add3A_49, %div3A_58 : vector<16xf32>
        %mul3A_60 = arith.mulf %div3A_58, %div3A_58 : vector<16xf32>
        %add3A_61 = arith.addf %add3A_51, %mul3A_60 : vector<16xf32>
        %get3A_62 = arith.index_cast %scan3A_8 : i32 to index
        %get3A_63 = arith.constant 64 : index
        %get3A_64 = tpu.vector_load %arg4[%get3A_62, %get3A_63] {strides = array<i32>} : memref<32x512xf32, #tpu.memory_space<vmem>>, vector<16xf32>,
        %add3A_65 = arith.addf %get3A_64, %scan3A_19 : vector<16xf32>
        %div3A_66 = arith.constant 1.000000e+00 : f32
        %div3A_67 = vector.broadcast %div3A_66 : f32 to vector<16xf32>
        %div3A_68 = arith.divf %div3A_67, %add3A_65 : vector<16xf32>
        %add3A_69 = arith.addf %add3A_59, %div3A_68 : vector<16xf32>
        %mul3A_70 = arith.mulf %div3A_68, %div3A_68 : vector<16xf32>
        %add3A_71 = arith.addf %add3A_61, %mul3A_70 : vector<16xf32>
        %get3A_72 = arith.index_cast %scan3A_8 : i32 to index
        %get3A_73 = arith.constant 80 : index
        %get3A_74 = tpu.vector_load %arg4[%get3A_72, %get3A_73] {strides = array<i32>} : memref<32x512xf32, #tpu.memory_space<vmem>>, vector<16xf32>,
        %add3A_75 = arith.addf %get3A_74, %scan3A_19 : vector<16xf32>
        %div3A_76 = arith.constant 1.000000e+00 : f32
        %div3A_77 = vector.broadcast %div3A_76 : f32 to vector<16xf32>
        %div3A_78 = arith.divf %div3A_77, %add3A_75 : vector<16xf32>
        %add3A_79 = arith.addf %add3A_69, %div3A_78 : vector<16xf32>
        %mul3A_80 = arith.mulf %div3A_78, %div3A_78 : vector<16xf32>
        %add3A_81 = arith.addf %add3A_71, %mul3A_80 : vector<16xf32>
        %get3A_82 = arith.index_cast %scan3A_8 : i32 to index
        %get3A_83 = arith.constant 96 : index
        %get3A_84 = tpu.vector_load %arg4[%get3A_82, %get3A_83] {strides = array<i32>} : memref<32x512xf32, #tpu.memory_space<vmem>>, vector<16xf32>,
        %add3A_85 = arith.addf %get3A_84, %scan3A_19 : vector<16xf32>
        %div3A_86 = arith.constant 1.000000e+00 : f32
        %div3A_87 = vector.broadcast %div3A_86 : f32 to vector<16xf32>
        %div3A_88 = arith.divf %div3A_87, %add3A_85 : vector<16xf32>
        %add3A_89 = arith.addf %add3A_79, %div3A_88 : vector<16xf32>
        %mul3A_90 = arith.mulf %div3A_88, %div3A_88 : vector<16xf32>
        %add3A_91 = arith.addf %add3A_81, %mul3A_90 : vector<16xf32>
        %get3A_92 = arith.index_cast %scan3A_8 : i32 to index
        %get3A_93 = arith.constant 112 : index
        %get3A_94 = tpu.vector_load %arg4[%get3A_92, %get3A_93] {strides = array<i32>} : memref<32x512xf32, #tpu.memory_space<vmem>>, vector<16xf32>,
        %add3A_95 = arith.addf %get3A_94, %scan3A_19 : vector<16xf32>
        %div3A_96 = arith.constant 1.000000e+00 : f32
        %div3A_97 = vector.broadcast %div3A_96 : f32 to vector<16xf32>
        %div3A_98 = arith.divf %div3A_97, %add3A_95 : vector<16xf32>
        %add3A_99 = arith.addf %add3A_89, %div3A_98 : vector<16xf32>
        %mul3A_100 = arith.mulf %div3A_98, %div3A_98 : vector<16xf32>
        %add3A_101 = arith.addf %add3A_91, %mul3A_100 : vector<16xf32>
        %get3A_102 = arith.index_cast %scan3A_8 : i32 to index
        %get3A_103 = arith.constant 128 : index
        %get3A_104 = tpu.vector_load %arg4[%get3A_102, %get3A_103] {strides = array<i32>} : memref<32x512xf32, #tpu.memory_space<vmem>>, vector<16xf32>,
        %add3A_105 = arith.addf %get3A_104, %scan3A_19 : vector<16xf32>
        %div3A_106 = arith.constant 1.000000e+00 : f32
        %div3A_107 = vector.broadcast %div3A_106 : f32 to vector<16xf32>
        %div3A_108 = arith.divf %div3A_107, %add3A_105 : vector<16xf32>
        %add3A_109 = arith.addf %add3A_99, %div3A_108 : vector<16xf32>
        %mul3A_110 = arith.mulf %div3A_108, %div3A_108 : vector<16xf32>
        %add3A_111 = arith.addf %add3A_101, %mul3A_110 : vector<16xf32>
        %get3A_112 = arith.index_cast %scan3A_8 : i32 to index
        %get3A_113 = arith.constant 144 : index
        %get3A_114 = tpu.vector_load %arg4[%get3A_112, %get3A_113] {strides = array<i32>} : memref<32x512xf32, #tpu.memory_space<vmem>>, vector<16xf32>,
        %add3A_115 = arith.addf %get3A_114, %scan3A_19 : vector<16xf32>
        %div3A_116 = arith.constant 1.000000e+00 : f32
        %div3A_117 = vector.broadcast %div3A_116 : f32 to vector<16xf32>
        %div3A_118 = arith.divf %div3A_117, %add3A_115 : vector<16xf32>
        %add3A_119 = arith.addf %add3A_109, %div3A_118 : vector<16xf32>
        %mul3A_120 = arith.mulf %div3A_118, %div3A_118 : vector<16xf32>
        %add3A_121 = arith.addf %add3A_111, %mul3A_120 : vector<16xf32>
        %get3A_122 = arith.index_cast %scan3A_8 : i32 to index
        %get3A_123 = arith.constant 160 : index
        %get3A_124 = tpu.vector_load %arg4[%get3A_122, %get3A_123] {strides = array<i32>} : memref<32x512xf32, #tpu.memory_space<vmem>>, vector<16xf32>,
        %add3A_125 = arith.addf %get3A_124, %scan3A_19 : vector<16xf32>
        %div3A_126 = arith.constant 1.000000e+00 : f32
        %div3A_127 = vector.broadcast %div3A_126 : f32 to vector<16xf32>
        %div3A_128 = arith.divf %div3A_127, %add3A_125 : vector<16xf32>
        %add3A_129 = arith.addf %add3A_119, %div3A_128 : vector<16xf32>
        %mul3A_130 = arith.mulf %div3A_128, %div3A_128 : vector<16xf32>
        %add3A_131 = arith.addf %add3A_121, %mul3A_130 : vector<16xf32>
        %get3A_132 = arith.index_cast %scan3A_8 : i32 to index
        %get3A_133 = arith.constant 176 : index
        %get3A_134 = tpu.vector_load %arg4[%get3A_132, %get3A_133] {strides = array<i32>} : memref<32x512xf32, #tpu.memory_space<vmem>>, vector<16xf32>,
        %add3A_135 = arith.addf %get3A_134, %scan3A_19 : vector<16xf32>
        %div3A_136 = arith.constant 1.000000e+00 : f32
        %div3A_137 = vector.broadcast %div3A_136 : f32 to vector<16xf32>
        %div3A_138 = arith.divf %div3A_137, %add3A_135 : vector<16xf32>
        %add3A_139 = arith.addf %add3A_129, %div3A_138 : vector<16xf32>
        %mul3A_140 = arith.mulf %div3A_138, %div3A_138 : vector<16xf32>
        %add3A_141 = arith.addf %add3A_131, %mul3A_140 : vector<16xf32>
        %get3A_142 = arith.index_cast %scan3A_8 : i32 to index
        %get3A_143 = arith.constant 192 : index
        %get3A_144 = tpu.vector_load %arg4[%get3A_142, %get3A_143] {strides = array<i32>} : memref<32x512xf32, #tpu.memory_space<vmem>>, vector<16xf32>,
        %add3A_145 = arith.addf %get3A_144, %scan3A_19 : vector<16xf32>
        %div3A_146 = arith.constant 1.000000e+00 : f32
        %div3A_147 = vector.broadcast %div3A_146 : f32 to vector<16xf32>
        %div3A_148 = arith.divf %div3A_147, %add3A_145 : vector<16xf32>
        %add3A_149 = arith.addf %add3A_139, %div3A_148 : vector<16xf32>
        %mul3A_150 = arith.mulf %div3A_148, %div3A_148 : vector<16xf32>
        %add3A_151 = arith.addf %add3A_141, %mul3A_150 : vector<16xf32>
        %get3A_152 = arith.index_cast %scan3A_8 : i32 to index
        %get3A_153 = arith.constant 208 : index
        %get3A_154 = tpu.vector_load %arg4[%get3A_152, %get3A_153] {strides = array<i32>} : memref<32x512xf32, #tpu.memory_space<vmem>>, vector<16xf32>,
        %add3A_155 = arith.addf %get3A_154, %scan3A_19 : vector<16xf32>
        %div3A_156 = arith.constant 1.000000e+00 : f32
        %div3A_157 = vector.broadcast %div3A_156 : f32 to vector<16xf32>
        %div3A_158 = arith.divf %div3A_157, %add3A_155 : vector<16xf32>
        %add3A_159 = arith.addf %add3A_149, %div3A_158 : vector<16xf32>
        %mul3A_160 = arith.mulf %div3A_158, %div3A_158 : vector<16xf32>
        %add3A_161 = arith.addf %add3A_151, %mul3A_160 : vector<16xf32>
        %get3A_162 = arith.index_cast %scan3A_8 : i32 to index
        %get3A_163 = arith.constant 224 : index
        %get3A_164 = tpu.vector_load %arg4[%get3A_162, %get3A_163] {strides = array<i32>} : memref<32x512xf32, #tpu.memory_space<vmem>>, vector<16xf32>,
        %add3A_165 = arith.addf %get3A_164, %scan3A_19 : vector<16xf32>
        %div3A_166 = arith.constant 1.000000e+00 : f32
        %div3A_167 = vector.broadcast %div3A_166 : f32 to vector<16xf32>
        %div3A_168 = arith.divf %div3A_167, %add3A_165 : vector<16xf32>
        %add3A_169 = arith.addf %add3A_159, %div3A_168 : vector<16xf32>
        %mul3A_170 = arith.mulf %div3A_168, %div3A_168 : vector<16xf32>
        %add3A_171 = arith.addf %add3A_161, %mul3A_170 : vector<16xf32>
        %get3A_172 = arith.index_cast %scan3A_8 : i32 to index
        %get3A_173 = arith.constant 240 : index
        %get3A_174 = tpu.vector_load %arg4[%get3A_172, %get3A_173] {strides = array<i32>} : memref<32x512xf32, #tpu.memory_space<vmem>>, vector<16xf32>,
        %add3A_175 = arith.addf %get3A_174, %scan3A_19 : vector<16xf32>
        %div3A_176 = arith.constant 1.000000e+00 : f32
        %div3A_177 = vector.broadcast %div3A_176 : f32 to vector<16xf32>
        %div3A_178 = arith.divf %div3A_177, %add3A_175 : vector<16xf32>
        %add3A_179 = arith.addf %add3A_169, %div3A_178 : vector<16xf32>
        %mul3A_180 = arith.mulf %div3A_178, %div3A_178 : vector<16xf32>
        %add3A_181 = arith.addf %add3A_171, %mul3A_180 : vector<16xf32>
        %get3A_182 = arith.index_cast %scan3A_8 : i32 to index
        %get3A_183 = arith.constant 256 : index
        %get3A_184 = tpu.vector_load %arg4[%get3A_182, %get3A_183] {strides = array<i32>} : memref<32x512xf32, #tpu.memory_space<vmem>>, vector<16xf32>,
        %add3A_185 = arith.addf %get3A_184, %scan3A_19 : vector<16xf32>
        %div3A_186 = arith.constant 1.000000e+00 : f32
        %div3A_187 = vector.broadcast %div3A_186 : f32 to vector<16xf32>
        %div3A_188 = arith.divf %div3A_187, %add3A_185 : vector<16xf32>
        %add3A_189 = arith.addf %add3A_179, %div3A_188 : vector<16xf32>
        %mul3A_190 = arith.mulf %div3A_188, %div3A_188 : vector<16xf32>
        %add3A_191 = arith.addf %add3A_181, %mul3A_190 : vector<16xf32>
        %get3A_192 = arith.index_cast %scan3A_8 : i32 to index
        %get3A_193 = arith.constant 272 : index
        %get3A_194 = tpu.vector_load %arg4[%get3A_192, %get3A_193] {strides = array<i32>} : memref<32x512xf32, #tpu.memory_space<vmem>>, vector<16xf32>,
        %add3A_195 = arith.addf %get3A_194, %scan3A_19 : vector<16xf32>
        %div3A_196 = arith.constant 1.000000e+00 : f32
        %div3A_197 = vector.broadcast %div3A_196 : f32 to vector<16xf32>
        %div3A_198 = arith.divf %div3A_197, %add3A_195 : vector<16xf32>
        %add3A_199 = arith.addf %add3A_189, %div3A_198 : vector<16xf32>
        %mul3A_200 = arith.mulf %div3A_198, %div3A_198 : vector<16xf32>
        %add3A_201 = arith.addf %add3A_191, %mul3A_200 : vector<16xf32>
        %get3A_202 = arith.index_cast %scan3A_8 : i32 to index
        %get3A_203 = arith.constant 288 : index
        %get3A_204 = tpu.vector_load %arg4[%get3A_202, %get3A_203] {strides = array<i32>} : memref<32x512xf32, #tpu.memory_space<vmem>>, vector<16xf32>,
        %add3A_205 = arith.addf %get3A_204, %scan3A_19 : vector<16xf32>
        %div3A_206 = arith.constant 1.000000e+00 : f32
        %div3A_207 = vector.broadcast %div3A_206 : f32 to vector<16xf32>
        %div3A_208 = arith.divf %div3A_207, %add3A_205 : vector<16xf32>
        %add3A_209 = arith.addf %add3A_199, %div3A_208 : vector<16xf32>
        %mul3A_210 = arith.mulf %div3A_208, %div3A_208 : vector<16xf32>
        %add3A_211 = arith.addf %add3A_201, %mul3A_210 : vector<16xf32>
        %get3A_212 = arith.index_cast %scan3A_8 : i32 to index
        %get3A_213 = arith.constant 304 : index
        %get3A_214 = tpu.vector_load %arg4[%get3A_212, %get3A_213] {strides = array<i32>} : memref<32x512xf32, #tpu.memory_space<vmem>>, vector<16xf32>,
        %add3A_215 = arith.addf %get3A_214, %scan3A_19 : vector<16xf32>
        %div3A_216 = arith.constant 1.000000e+00 : f32
        %div3A_217 = vector.broadcast %div3A_216 : f32 to vector<16xf32>
        %div3A_218 = arith.divf %div3A_217, %add3A_215 : vector<16xf32>
        %add3A_219 = arith.addf %add3A_209, %div3A_218 : vector<16xf32>
        %mul3A_220 = arith.mulf %div3A_218, %div3A_218 : vector<16xf32>
        %add3A_221 = arith.addf %add3A_211, %mul3A_220 : vector<16xf32>
        %get3A_222 = arith.index_cast %scan3A_8 : i32 to index
        %get3A_223 = arith.constant 320 : index
        %get3A_224 = tpu.vector_load %arg4[%get3A_222, %get3A_223] {strides = array<i32>} : memref<32x512xf32, #tpu.memory_space<vmem>>, vector<16xf32>,
        %add3A_225 = arith.addf %get3A_224, %scan3A_19 : vector<16xf32>
        %div3A_226 = arith.constant 1.000000e+00 : f32
        %div3A_227 = vector.broadcast %div3A_226 : f32 to vector<16xf32>
        %div3A_228 = arith.divf %div3A_227, %add3A_225 : vector<16xf32>
        %add3A_229 = arith.addf %add3A_219, %div3A_228 : vector<16xf32>
        %mul3A_230 = arith.mulf %div3A_228, %div3A_228 : vector<16xf32>
        %add3A_231 = arith.addf %add3A_221, %mul3A_230 : vector<16xf32>
        %get3A_232 = arith.index_cast %scan3A_8 : i32 to index
        %get3A_233 = arith.constant 336 : index
        %get3A_234 = tpu.vector_load %arg4[%get3A_232, %get3A_233] {strides = array<i32>} : memref<32x512xf32, #tpu.memory_space<vmem>>, vector<16xf32>,
        %add3A_235 = arith.addf %get3A_234, %scan3A_19 : vector<16xf32>
        %div3A_236 = arith.constant 1.000000e+00 : f32
        %div3A_237 = vector.broadcast %div3A_236 : f32 to vector<16xf32>
        %div3A_238 = arith.divf %div3A_237, %add3A_235 : vector<16xf32>
        %add3A_239 = arith.addf %add3A_229, %div3A_238 : vector<16xf32>
        %mul3A_240 = arith.mulf %div3A_238, %div3A_238 : vector<16xf32>
        %add3A_241 = arith.addf %add3A_231, %mul3A_240 : vector<16xf32>
        %get3A_242 = arith.index_cast %scan3A_8 : i32 to index
        %get3A_243 = arith.constant 352 : index
        %get3A_244 = tpu.vector_load %arg4[%get3A_242, %get3A_243] {strides = array<i32>} : memref<32x512xf32, #tpu.memory_space<vmem>>, vector<16xf32>,
        %add3A_245 = arith.addf %get3A_244, %scan3A_19 : vector<16xf32>
        %div3A_246 = arith.constant 1.000000e+00 : f32
        %div3A_247 = vector.broadcast %div3A_246 : f32 to vector<16xf32>
        %div3A_248 = arith.divf %div3A_247, %add3A_245 : vector<16xf32>
        %add3A_249 = arith.addf %add3A_239, %div3A_248 : vector<16xf32>
        %mul3A_250 = arith.mulf %div3A_248, %div3A_248 : vector<16xf32>
        %add3A_251 = arith.addf %add3A_241, %mul3A_250 : vector<16xf32>
        %get3A_252 = arith.index_cast %scan3A_8 : i32 to index
        %get3A_253 = arith.constant 368 : index
        %get3A_254 = tpu.vector_load %arg4[%get3A_252, %get3A_253] {strides = array<i32>} : memref<32x512xf32, #tpu.memory_space<vmem>>, vector<16xf32>,
        %add3A_255 = arith.addf %get3A_254, %scan3A_19 : vector<16xf32>
        %div3A_256 = arith.constant 1.000000e+00 : f32
        %div3A_257 = vector.broadcast %div3A_256 : f32 to vector<16xf32>
        %div3A_258 = arith.divf %div3A_257, %add3A_255 : vector<16xf32>
        %add3A_259 = arith.addf %add3A_249, %div3A_258 : vector<16xf32>
        %mul3A_260 = arith.mulf %div3A_258, %div3A_258 : vector<16xf32>
        %add3A_261 = arith.addf %add3A_251, %mul3A_260 : vector<16xf32>
        %get3A_262 = arith.index_cast %scan3A_8 : i32 to index
        %get3A_263 = arith.constant 384 : index
        %get3A_264 = tpu.vector_load %arg4[%get3A_262, %get3A_263] {strides = array<i32>} : memref<32x512xf32, #tpu.memory_space<vmem>>, vector<16xf32>,
        %add3A_265 = arith.addf %get3A_264, %scan3A_19 : vector<16xf32>
        %div3A_266 = arith.constant 1.000000e+00 : f32
        %div3A_267 = vector.broadcast %div3A_266 : f32 to vector<16xf32>
        %div3A_268 = arith.divf %div3A_267, %add3A_265 : vector<16xf32>
        %add3A_269 = arith.addf %add3A_259, %div3A_268 : vector<16xf32>
        %mul3A_270 = arith.mulf %div3A_268, %div3A_268 : vector<16xf32>
        %add3A_271 = arith.addf %add3A_261, %mul3A_270 : vector<16xf32>
        %get3A_272 = arith.index_cast %scan3A_8 : i32 to index
        %get3A_273 = arith.constant 400 : index
        %get3A_274 = tpu.vector_load %arg4[%get3A_272, %get3A_273] {strides = array<i32>} : memref<32x512xf32, #tpu.memory_space<vmem>>, vector<16xf32>,
        %add3A_275 = arith.addf %get3A_274, %scan3A_19 : vector<16xf32>
        %div3A_276 = arith.constant 1.000000e+00 : f32
        %div3A_277 = vector.broadcast %div3A_276 : f32 to vector<16xf32>
        %div3A_278 = arith.divf %div3A_277, %add3A_275 : vector<16xf32>
        %add3A_279 = arith.addf %add3A_269, %div3A_278 : vector<16xf32>
        %mul3A_280 = arith.mulf %div3A_278, %div3A_278 : vector<16xf32>
        %add3A_281 = arith.addf %add3A_271, %mul3A_280 : vector<16xf32>
        %get3A_282 = arith.index_cast %scan3A_8 : i32 to index
        %get3A_283 = arith.constant 416 : index
        %get3A_284 = tpu.vector_load %arg4[%get3A_282, %get3A_283] {strides = array<i32>} : memref<32x512xf32, #tpu.memory_space<vmem>>, vector<16xf32>,
        %add3A_285 = arith.addf %get3A_284, %scan3A_19 : vector<16xf32>
        %div3A_286 = arith.constant 1.000000e+00 : f32
        %div3A_287 = vector.broadcast %div3A_286 : f32 to vector<16xf32>
        %div3A_288 = arith.divf %div3A_287, %add3A_285 : vector<16xf32>
        %add3A_289 = arith.addf %add3A_279, %div3A_288 : vector<16xf32>
        %mul3A_290 = arith.mulf %div3A_288, %div3A_288 : vector<16xf32>
        %add3A_291 = arith.addf %add3A_281, %mul3A_290 : vector<16xf32>
        %get3A_292 = arith.index_cast %scan3A_8 : i32 to index
        %get3A_293 = arith.constant 432 : index
        %get3A_294 = tpu.vector_load %arg4[%get3A_292, %get3A_293] {strides = array<i32>} : memref<32x512xf32, #tpu.memory_space<vmem>>, vector<16xf32>,
        %add3A_295 = arith.addf %get3A_294, %scan3A_19 : vector<16xf32>
        %div3A_296 = arith.constant 1.000000e+00 : f32
        %div3A_297 = vector.broadcast %div3A_296 : f32 to vector<16xf32>
        %div3A_298 = arith.divf %div3A_297, %add3A_295 : vector<16xf32>
        %add3A_299 = arith.addf %add3A_289, %div3A_298 : vector<16xf32>
        %mul3A_300 = arith.mulf %div3A_298, %div3A_298 : vector<16xf32>
        %add3A_301 = arith.addf %add3A_291, %mul3A_300 : vector<16xf32>
        %get3A_302 = arith.index_cast %scan3A_8 : i32 to index
        %get3A_303 = arith.constant 448 : index
        %get3A_304 = tpu.vector_load %arg4[%get3A_302, %get3A_303] {strides = array<i32>} : memref<32x512xf32, #tpu.memory_space<vmem>>, vector<16xf32>,
        %add3A_305 = arith.addf %get3A_304, %scan3A_19 : vector<16xf32>
        %div3A_306 = arith.constant 1.000000e+00 : f32
        %div3A_307 = vector.broadcast %div3A_306 : f32 to vector<16xf32>
        %div3A_308 = arith.divf %div3A_307, %add3A_305 : vector<16xf32>
        %add3A_309 = arith.addf %add3A_299, %div3A_308 : vector<16xf32>
        %mul3A_310 = arith.mulf %div3A_308, %div3A_308 : vector<16xf32>
        %add3A_311 = arith.addf %add3A_301, %mul3A_310 : vector<16xf32>
        %get3A_312 = arith.index_cast %scan3A_8 : i32 to index
        %get3A_313 = arith.constant 464 : index
        %get3A_314 = tpu.vector_load %arg4[%get3A_312, %get3A_313] {strides = array<i32>} : memref<32x512xf32, #tpu.memory_space<vmem>>, vector<16xf32>,
        %add3A_315 = arith.addf %get3A_314, %scan3A_19 : vector<16xf32>
        %div3A_316 = arith.constant 1.000000e+00 : f32
        %div3A_317 = vector.broadcast %div3A_316 : f32 to vector<16xf32>
        %div3A_318 = arith.divf %div3A_317, %add3A_315 : vector<16xf32>
        %add3A_319 = arith.addf %add3A_309, %div3A_318 : vector<16xf32>
        %mul3A_320 = arith.mulf %div3A_318, %div3A_318 : vector<16xf32>
        %add3A_321 = arith.addf %add3A_311, %mul3A_320 : vector<16xf32>
        %get3A_322 = arith.index_cast %scan3A_8 : i32 to index
        %get3A_323 = arith.constant 480 : index
        %get3A_324 = tpu.vector_load %arg4[%get3A_322, %get3A_323] {strides = array<i32>} : memref<32x512xf32, #tpu.memory_space<vmem>>, vector<16xf32>,
        %add3A_325 = arith.addf %get3A_324, %scan3A_19 : vector<16xf32>
        %div3A_326 = arith.constant 1.000000e+00 : f32
        %div3A_327 = vector.broadcast %div3A_326 : f32 to vector<16xf32>
        %div3A_328 = arith.divf %div3A_327, %add3A_325 : vector<16xf32>
        %add3A_329 = arith.addf %add3A_319, %div3A_328 : vector<16xf32>
        %mul3A_330 = arith.mulf %div3A_328, %div3A_328 : vector<16xf32>
        %add3A_331 = arith.addf %add3A_321, %mul3A_330 : vector<16xf32>
        %get3A_332 = arith.index_cast %scan3A_8 : i32 to index
        %get3A_333 = arith.constant 496 : index
        %get3A_334 = tpu.vector_load %arg4[%get3A_332, %get3A_333] {strides = array<i32>} : memref<32x512xf32, #tpu.memory_space<vmem>>, vector<16xf32>,
        %add3A_335 = arith.addf %get3A_334, %scan3A_19 : vector<16xf32>
        %div3A_336 = arith.constant 1.000000e+00 : f32
        %div3A_337 = vector.broadcast %div3A_336 : f32 to vector<16xf32>
        %div3A_338 = arith.divf %div3A_337, %add3A_335 : vector<16xf32>
        %add3A_339 = arith.addf %add3A_329, %div3A_338 : vector<16xf32>
        %mul3A_340 = arith.mulf %div3A_338, %div3A_338 : vector<16xf32>
        %add3A_341 = arith.addf %add3A_331, %mul3A_340 : vector<16xf32>
        %reduce_sum3A = arith.constant true
        %reduce_sum3A_342 = vector.broadcast %reduce_sum3A : i1 to vector<16xi1>
        %reduce_sum3A_343 = tpu.scan <sum>, %add3A_339 masked %reduce_sum3A_342 : vector<16xf32>, vector<16xi1> -> vector<16xf32>
        %reduce_sum3A_344 = vector.extract %reduce_sum3A_343[15] : f32 from vector<16xf32>
        %reduce_sum3A_345 = arith.constant true
        %reduce_sum3A_346 = vector.broadcast %reduce_sum3A_345 : i1 to vector<16xi1>
        %reduce_sum3A_347 = tpu.scan <sum>, %add3A_341 masked %reduce_sum3A_346 : vector<16xf32>, vector<16xi1> -> vector<16xf32>
        %reduce_sum3A_348 = vector.extract %reduce_sum3A_347[15] : f32 from vector<16xf32>
        %mul3A_349 = vector.broadcast %reduce_sum3A_344 : f32 to vector<16xf32>
        %mul3A_350 = arith.mulf %scan3A_19, %mul3A_349 : vector<16xf32>
        %sub3A = arith.constant 1.000000e+02 : f32
        %sub3A_351 = vector.broadcast %sub3A : f32 to vector<16xf32>
        %sub3A_352 = arith.subf %mul3A_350, %sub3A_351 : vector<16xf32>
        %mul3A_353 = vector.broadcast %reduce_sum3A_348 : f32 to vector<16xf32>
        %mul3A_354 = arith.mulf %scan3A_19, %mul3A_353 : vector<16xf32>
        %sub3A_355 = vector.broadcast %reduce_sum3A_344 : f32 to vector<16xf32>
        %sub3A_356 = arith.subf %sub3A_355, %mul3A_354 : vector<16xf32>
        %div3A_357 = arith.divf %sub3A_352, %sub3A_356 : vector<16xf32>
        %sub3A_358 = arith.subf %scan3A_19, %div3A_357 : vector<16xf32>
        %abs3A = math.absf %sub3A_358 : vector<16xf32>
        scf.yield %abs3A : vector<16xf32>
      }
      %scan3A_15 = arith.constant 8 : i32
      %swap3A = arith.index_cast %scan3A_8 : i32 to index
      %swap3A_16 = arith.constant 0 : index
      %swap3A_17 = tpu.vector_load %arg5[%swap3A, %swap3A_16] {strides = array<i32>} : memref<32x16xf32, #tpu.memory_space<vmem>>, vector<16xf32>,
      tpu.vector_store %arg5[%swap3A, %swap3A_16], %scan3A_14 {strides = array<i32>} : memref<32x16xf32, #tpu.memory_space<vmem>>, vector<16xf32>,
    }
    %scan3A_7 = arith.constant 32 : i32
    "tpu.region"() ({
      %run_scoped3A = tpu.sem_alloc : memref<!tpu.dma_semaphore, #tpu.memory_space<semaphore_mem>>
      %dma_start3A = arith.constant 0 : i32
      %dma_start3A_8 = tpu.memref_slice %arg3[%mul3A_2, %dma_start3A] : memref<1024x16xf32, #tpu.memory_space<hbm>> -> memref<32x16xf32, #tpu.memory_space<hbm>>
      %dma_start3A_9 = arith.constant 0 : i32
      %dma_start3A_10 = tpu.memref_slice %arg3[%mul3A_2, %dma_start3A_9] : memref<1024x16xf32, #tpu.memory_space<hbm>> -> memref<32x16xf32, #tpu.memory_space<hbm>>
      tpu.enqueue_dma source(%arg5 : memref<32x16xf32, #tpu.memory_space<vmem>>) target(%dma_start3A_10 : memref<32x16xf32, #tpu.memory_space<hbm>>) target_semaphore(%run_scoped3A : memref<!tpu.dma_semaphore, #tpu.memory_space<semaphore_mem>>)
      %dma_wait3A = arith.constant 0 : i32
      %dma_wait3A_11 = tpu.memref_slice %arg3[%mul3A_2, %dma_wait3A] : memref<1024x16xf32, #tpu.memory_space<hbm>> -> memref<32x16xf32, #tpu.memory_space<hbm>>
      %dma_wait3A_12 = arith.constant 0 : i32
      %dma_wait3A_13 = tpu.memref_slice %arg3[%mul3A_2, %dma_wait3A_12] : memref<1024x16xf32, #tpu.memory_space<hbm>> -> memref<32x16xf32, #tpu.memory_space<hbm>>
      tpu.wait_dma2 semaphore(%run_scoped3A : memref<!tpu.dma_semaphore, #tpu.memory_space<semaphore_mem>>) src(%arg5 : memref<32x16xf32, #tpu.memory_space<vmem>>) dst(%dma_wait3A_13 : memref<32x16xf32, #tpu.memory_space<hbm>>)
      tpu.yield
    }) : () -> ()
    return
  }
}

module attributes {stable_mosaic.version = 14 : i64} {
  func.func @_tc_first(%arg0: memref<1024x1024xf32, #tpu.memory_space<vmem>>, %arg1: memref<500x1024xf32, #tpu.memory_space<vmem>>, %arg2: memref<1x500xf32, #tpu.memory_space<vmem>>, %arg3: memref<1024x512xf32, #tpu.memory_space<vmem>>, %arg4: memref<1024x512xf32, #tpu.memory_space<vmem>>) attributes {dimension_semantics = [], scalar_prefetch = 0 : i64, scratch_operands = 0 : i64, tpu.core_type = #tpu.core_type<tc>} {
    %get3A = arith.constant 0 : index
    %get3A_0 = arith.constant 0 : index
    %get3A_1 = vector.load %arg0[%get3A, %get3A_0] : memref<1024x1024xf32, #tpu.memory_space<vmem>>, vector<1024x1024xf32>
    %get3A_2 = arith.constant 0 : index
    %get3A_3 = arith.constant 0 : index
    %get3A_4 = vector.load %arg1[%get3A_2, %get3A_3] : memref<500x1024xf32, #tpu.memory_space<vmem>>, vector<500x1024xf32>
    %dot_general3A = arith.constant dense<0.000000e+00> : vector<1024x500xf32>
    %dot_general3A_5 = tpu.matmul %get3A_1, %get3A_4, %dot_general3A {dimension_numbers = #tpu.dot_dimension_numbers<[1], [1], [0], [0], [0, 0, 1, 0], [], []>, transpose_lhs_hint = false} : vector<1024x1024xf32>, vector<500x1024xf32>, vector<1024x500xf32> -> vector<1024x500xf32>
    %get3A_6 = arith.constant 0 : index
    %get3A_7 = arith.constant 0 : index
    %get3A_8 = vector.load %arg2[%get3A_6, %get3A_7] : memref<1x500xf32, #tpu.memory_space<vmem>>, vector<1x500xf32>
    %add3A = vector.broadcast %get3A_8 : vector<1x500xf32> to vector<1024x500xf32>
    %add3A_9 = arith.addf %dot_general3A_5, %add3A : vector<1024x500xf32>
    %max3A = arith.constant 0.000000e+00 : f32
    %max3A_10 = vector.broadcast %max3A : f32 to vector<1024x500xf32>
    %max3A_11 = arith.maximumf %add3A_9, %max3A_10 : vector<1024x500xf32>
    %broadcast_in_dim3A = arith.constant 0.000000e+00 : f32
    %broadcast_in_dim3A_12 = vector.broadcast %broadcast_in_dim3A : f32 to vector<1024x12xf32>
    %concatenate3A = tpu.concatenate %max3A_11, %broadcast_in_dim3A_12 in 1 : vector<1024x500xf32>, vector<1024x12xf32> -> vector<1024x512xf32>
    %swap3A = arith.constant 0 : index
    %swap3A_13 = arith.constant 0 : index
    %swap3A_14 = vector.load %arg3[%swap3A, %swap3A_13] : memref<1024x512xf32, #tpu.memory_space<vmem>>, vector<1024x512xf32>
    tpu.vector_store %arg3[%swap3A, %swap3A_13], %concatenate3A {strides = array<i32>} : memref<1024x512xf32, #tpu.memory_space<vmem>>, vector<1024x512xf32>,
    %sub3A = arith.constant 1.000000e+00 : f32
    %sub3A_15 = vector.broadcast %sub3A : f32 to vector<1024x500xf32>
    %sub3A_16 = arith.subf %max3A_11, %sub3A_15 : vector<1024x500xf32>
    %abs3A = math.absf %sub3A_16 : vector<1024x500xf32>
    %max3A_17 = arith.maximumf %max3A_11, %abs3A : vector<1024x500xf32>
    %reduce_max3A = vector.shape_cast %max3A_17 : vector<1024x500xf32> to vector<1x1024x500xf32>
    %reduce_max3A_18 = arith.constant dense<0xFF800000> : vector<1xf32>
    %reduce_max3A_19 = vector.multi_reduction <maximumf>, %reduce_max3A, %reduce_max3A_18 [1, 2] : vector<1x1024x500xf32> to vector<1xf32>
    %reduce_max3A_20 = vector.shape_cast %reduce_max3A_19 : vector<1xf32> to vector<1x1x1xf32>
    %reduce_max3A_21 = vector.extract %reduce_max3A_20[0, 0, 0] : f32 from vector<1x1x1xf32>
    %mul3A = arith.constant 1.000000e-01 : f32
    %mul3A_22 = arith.mulf %mul3A, %reduce_max3A_21 : f32
    %mul3A_23 = arith.mulf %mul3A_22, %reduce_max3A_21 : f32
    %div3A = arith.constant 1.000000e+00 : f32
    %div3A_24 = arith.divf %div3A, %mul3A_23 : f32
    %mul3A_25 = arith.constant 2.000000e+00 : f32
    %mul3A_26 = vector.broadcast %mul3A_25 : f32 to vector<1024x500xf32>
    %mul3A_27 = arith.mulf %mul3A_26, %max3A_11 : vector<1024x500xf32>
    %sub3A_28 = arith.constant 1.000000e+00 : f32
    %sub3A_29 = vector.broadcast %sub3A_28 : f32 to vector<1024x500xf32>
    %sub3A_30 = arith.subf %mul3A_27, %sub3A_29 : vector<1024x500xf32>
    %mul3A_31 = vector.broadcast %div3A_24 : f32 to vector<1024x500xf32>
    %mul3A_32 = arith.mulf %sub3A_30, %mul3A_31 : vector<1024x500xf32>
    %exp3A = math.exp %mul3A_32 : vector<1024x500xf32>
    %broadcast_in_dim3A_33 = arith.constant 1.000000e+30 : f32
    %broadcast_in_dim3A_34 = vector.broadcast %broadcast_in_dim3A_33 : f32 to vector<1024x12xf32>
    %concatenate3A_35 = tpu.concatenate %exp3A, %broadcast_in_dim3A_34 in 1 : vector<1024x500xf32>, vector<1024x12xf32> -> vector<1024x512xf32>
    %swap3A_36 = arith.constant 0 : index
    %swap3A_37 = arith.constant 0 : index
    %swap3A_38 = vector.load %arg4[%swap3A_36, %swap3A_37] : memref<1024x512xf32, #tpu.memory_space<vmem>>, vector<1024x512xf32>
    tpu.vector_store %arg4[%swap3A_36, %swap3A_37], %concatenate3A_35 {strides = array<i32>} : memref<1024x512xf32, #tpu.memory_space<vmem>>, vector<1024x512xf32>,
    return
  }
}

module attributes {stable_mosaic.version = 14 : i64} {
  func.func @_tc_last(%arg0: memref<1024x512xf32, #tpu.memory_space<vmem>>, %arg1: memref<1024x512xf32, #tpu.memory_space<vmem>>, %arg2: memref<1024x16xf32, #tpu.memory_space<vmem>>, %arg3: memref<10x500xf32, #tpu.memory_space<vmem>>, %arg4: memref<1x10xf32, #tpu.memory_space<vmem>>, %arg5: memref<1024x10xf32, #tpu.memory_space<vmem>>) attributes {dimension_semantics = [], scalar_prefetch = 0 : i64, scratch_operands = 0 : i64, tpu.core_type = #tpu.core_type<tc>} {
    %get3A = arith.constant 0 : index
    %get3A_0 = arith.constant 0 : index
    %get3A_1 = vector.load %arg0[%get3A, %get3A_0] : memref<1024x512xf32, #tpu.memory_space<vmem>>, vector<1024x512xf32>
    %get3A_2 = arith.constant 0 : index
    %get3A_3 = arith.constant 0 : index
    %get3A_4 = vector.load %arg1[%get3A_2, %get3A_3] : memref<1024x512xf32, #tpu.memory_space<vmem>>, vector<1024x512xf32>
    %get3A_5 = arith.constant 0 : index
    %get3A_6 = arith.constant 0 : index
    %get3A_7 = vector.load %arg2[%get3A_5, %get3A_6] : memref<1024x16xf32, #tpu.memory_space<vmem>>, vector<1024x16xf32>
    %slice3A = vector.extract_strided_slice %get3A_7 {offsets = [0, 0], sizes = [1024, 1], strides = [1, 1]} : vector<1024x16xf32> to vector<1024x1xf32>
    %add3A = vector.broadcast %slice3A : vector<1024x1xf32> to vector<1024x512xf32>
    %add3A_8 = arith.addf %get3A_4, %add3A : vector<1024x512xf32>
    %div3A = vector.broadcast %slice3A : vector<1024x1xf32> to vector<1024x512xf32>
    %div3A_9 = arith.divf %div3A, %add3A_8 : vector<1024x512xf32>
    %sub3A = arith.constant 1.000000e+00 : f32
    %sub3A_10 = vector.broadcast %sub3A : f32 to vector<1024x512xf32>
    %sub3A_11 = arith.subf %sub3A_10, %div3A_9 : vector<1024x512xf32>
    %mul3A = arith.mulf %get3A_1, %sub3A_11 : vector<1024x512xf32>
    %slice3A_12 = vector.extract_strided_slice %mul3A {offsets = [0, 0], sizes = [1024, 500], strides = [1, 1]} : vector<1024x512xf32> to vector<1024x500xf32>
    %get3A_13 = arith.constant 0 : index
    %get3A_14 = arith.constant 0 : index
    %get3A_15 = vector.load %arg3[%get3A_13, %get3A_14] : memref<10x500xf32, #tpu.memory_space<vmem>>, vector<10x500xf32>
    %dot_general3A = arith.constant dense<0.000000e+00> : vector<1024x10xf32>
    %dot_general3A_16 = tpu.matmul %slice3A_12, %get3A_15, %dot_general3A {dimension_numbers = #tpu.dot_dimension_numbers<[1], [1], [0], [0], [0, 0, 1, 0], [], []>, transpose_lhs_hint = false} : vector<1024x500xf32>, vector<10x500xf32>, vector<1024x10xf32> -> vector<1024x10xf32>
    %get3A_17 = arith.constant 0 : index
    %get3A_18 = arith.constant 0 : index
    %get3A_19 = vector.load %arg4[%get3A_17, %get3A_18] : memref<1x10xf32, #tpu.memory_space<vmem>>, vector<1x10xf32>
    %add3A_20 = vector.broadcast %get3A_19 : vector<1x10xf32> to vector<1024x10xf32>
    %add3A_21 = arith.addf %dot_general3A_16, %add3A_20 : vector<1024x10xf32>
    %swap3A = arith.constant 0 : index
    %swap3A_22 = arith.constant 0 : index
    %swap3A_23 = vector.load %arg5[%swap3A, %swap3A_22] : memref<1024x10xf32, #tpu.memory_space<vmem>>, vector<1024x10xf32>
    tpu.vector_store %arg5[%swap3A, %swap3A_22], %add3A_21 {strides = array<i32>} : memref<1024x10xf32, #tpu.memory_space<vmem>>, vector<1024x10xf32>,
    return
  }
}

module attributes {stable_mosaic.version = 14 : i64} {
  func.func @_tc_mid(%arg0: memref<1024x512xf32, #tpu.memory_space<vmem>>, %arg1: memref<1024x512xf32, #tpu.memory_space<vmem>>, %arg2: memref<1024x16xf32, #tpu.memory_space<vmem>>, %arg3: memref<500x500xf32, #tpu.memory_space<vmem>>, %arg4: memref<1x500xf32, #tpu.memory_space<vmem>>, %arg5: memref<1024x512xf32, #tpu.memory_space<vmem>>, %arg6: memref<1024x512xf32, #tpu.memory_space<vmem>>) attributes {dimension_semantics = [], scalar_prefetch = 0 : i64, scratch_operands = 0 : i64, tpu.core_type = #tpu.core_type<tc>} {
    %get3A = arith.constant 0 : index
    %get3A_0 = arith.constant 0 : index
    %get3A_1 = vector.load %arg0[%get3A, %get3A_0] : memref<1024x512xf32, #tpu.memory_space<vmem>>, vector<1024x512xf32>
    %get3A_2 = arith.constant 0 : index
    %get3A_3 = arith.constant 0 : index
    %get3A_4 = vector.load %arg1[%get3A_2, %get3A_3] : memref<1024x512xf32, #tpu.memory_space<vmem>>, vector<1024x512xf32>
    %get3A_5 = arith.constant 0 : index
    %get3A_6 = arith.constant 0 : index
    %get3A_7 = vector.load %arg2[%get3A_5, %get3A_6] : memref<1024x16xf32, #tpu.memory_space<vmem>>, vector<1024x16xf32>
    %slice3A = vector.extract_strided_slice %get3A_7 {offsets = [0, 0], sizes = [1024, 1], strides = [1, 1]} : vector<1024x16xf32> to vector<1024x1xf32>
    %add3A = vector.broadcast %slice3A : vector<1024x1xf32> to vector<1024x512xf32>
    %add3A_8 = arith.addf %get3A_4, %add3A : vector<1024x512xf32>
    %div3A = vector.broadcast %slice3A : vector<1024x1xf32> to vector<1024x512xf32>
    %div3A_9 = arith.divf %div3A, %add3A_8 : vector<1024x512xf32>
    %sub3A = arith.constant 1.000000e+00 : f32
    %sub3A_10 = vector.broadcast %sub3A : f32 to vector<1024x512xf32>
    %sub3A_11 = arith.subf %sub3A_10, %div3A_9 : vector<1024x512xf32>
    %mul3A = arith.mulf %get3A_1, %sub3A_11 : vector<1024x512xf32>
    %slice3A_12 = vector.extract_strided_slice %mul3A {offsets = [0, 0], sizes = [1024, 500], strides = [1, 1]} : vector<1024x512xf32> to vector<1024x500xf32>
    %get3A_13 = arith.constant 0 : index
    %get3A_14 = arith.constant 0 : index
    %get3A_15 = vector.load %arg3[%get3A_13, %get3A_14] : memref<500x500xf32, #tpu.memory_space<vmem>>, vector<500x500xf32>
    %dot_general3A = arith.constant dense<0.000000e+00> : vector<1024x500xf32>
    %dot_general3A_16 = tpu.matmul %slice3A_12, %get3A_15, %dot_general3A {dimension_numbers = #tpu.dot_dimension_numbers<[1], [1], [0], [0], [0, 0, 1, 0], [], []>, transpose_lhs_hint = false} : vector<1024x500xf32>, vector<500x500xf32>, vector<1024x500xf32> -> vector<1024x500xf32>
    %get3A_17 = arith.constant 0 : index
    %get3A_18 = arith.constant 0 : index
    %get3A_19 = vector.load %arg4[%get3A_17, %get3A_18] : memref<1x500xf32, #tpu.memory_space<vmem>>, vector<1x500xf32>
    %add3A_20 = vector.broadcast %get3A_19 : vector<1x500xf32> to vector<1024x500xf32>
    %add3A_21 = arith.addf %dot_general3A_16, %add3A_20 : vector<1024x500xf32>
    %max3A = arith.constant 0.000000e+00 : f32
    %max3A_22 = vector.broadcast %max3A : f32 to vector<1024x500xf32>
    %max3A_23 = arith.maximumf %add3A_21, %max3A_22 : vector<1024x500xf32>
    %broadcast_in_dim3A = arith.constant 0.000000e+00 : f32
    %broadcast_in_dim3A_24 = vector.broadcast %broadcast_in_dim3A : f32 to vector<1024x12xf32>
    %concatenate3A = tpu.concatenate %max3A_23, %broadcast_in_dim3A_24 in 1 : vector<1024x500xf32>, vector<1024x12xf32> -> vector<1024x512xf32>
    %swap3A = arith.constant 0 : index
    %swap3A_25 = arith.constant 0 : index
    %swap3A_26 = vector.load %arg5[%swap3A, %swap3A_25] : memref<1024x512xf32, #tpu.memory_space<vmem>>, vector<1024x512xf32>
    tpu.vector_store %arg5[%swap3A, %swap3A_25], %concatenate3A {strides = array<i32>} : memref<1024x512xf32, #tpu.memory_space<vmem>>, vector<1024x512xf32>,
    %sub3A_27 = arith.constant 1.000000e+00 : f32
    %sub3A_28 = vector.broadcast %sub3A_27 : f32 to vector<1024x500xf32>
    %sub3A_29 = arith.subf %max3A_23, %sub3A_28 : vector<1024x500xf32>
    %abs3A = math.absf %sub3A_29 : vector<1024x500xf32>
    %max3A_30 = arith.maximumf %max3A_23, %abs3A : vector<1024x500xf32>
    %reduce_max3A = vector.shape_cast %max3A_30 : vector<1024x500xf32> to vector<1x1024x500xf32>
    %reduce_max3A_31 = arith.constant dense<0xFF800000> : vector<1xf32>
    %reduce_max3A_32 = vector.multi_reduction <maximumf>, %reduce_max3A, %reduce_max3A_31 [1, 2] : vector<1x1024x500xf32> to vector<1xf32>
    %reduce_max3A_33 = vector.shape_cast %reduce_max3A_32 : vector<1xf32> to vector<1x1x1xf32>
    %reduce_max3A_34 = vector.extract %reduce_max3A_33[0, 0, 0] : f32 from vector<1x1x1xf32>
    %mul3A_35 = arith.constant 1.000000e-01 : f32
    %mul3A_36 = arith.mulf %mul3A_35, %reduce_max3A_34 : f32
    %mul3A_37 = arith.mulf %mul3A_36, %reduce_max3A_34 : f32
    %div3A_38 = arith.constant 1.000000e+00 : f32
    %div3A_39 = arith.divf %div3A_38, %mul3A_37 : f32
    %mul3A_40 = arith.constant 2.000000e+00 : f32
    %mul3A_41 = vector.broadcast %mul3A_40 : f32 to vector<1024x500xf32>
    %mul3A_42 = arith.mulf %mul3A_41, %max3A_23 : vector<1024x500xf32>
    %sub3A_43 = arith.constant 1.000000e+00 : f32
    %sub3A_44 = vector.broadcast %sub3A_43 : f32 to vector<1024x500xf32>
    %sub3A_45 = arith.subf %mul3A_42, %sub3A_44 : vector<1024x500xf32>
    %mul3A_46 = vector.broadcast %div3A_39 : f32 to vector<1024x500xf32>
    %mul3A_47 = arith.mulf %sub3A_45, %mul3A_46 : vector<1024x500xf32>
    %exp3A = math.exp %mul3A_47 : vector<1024x500xf32>
    %broadcast_in_dim3A_48 = arith.constant 1.000000e+30 : f32
    %broadcast_in_dim3A_49 = vector.broadcast %broadcast_in_dim3A_48 : f32 to vector<1024x12xf32>
    %concatenate3A_50 = tpu.concatenate %exp3A, %broadcast_in_dim3A_49 in 1 : vector<1024x500xf32>, vector<1024x12xf32> -> vector<1024x512xf32>
    %swap3A_51 = arith.constant 0 : index
    %swap3A_52 = arith.constant 0 : index
    %swap3A_53 = vector.load %arg6[%swap3A_51, %swap3A_52] : memref<1024x512xf32, #tpu.memory_space<vmem>>, vector<1024x512xf32>
    tpu.vector_store %arg6[%swap3A_51, %swap3A_52], %concatenate3A_50 {strides = array<i32>} : memref<1024x512xf32, #tpu.memory_space<vmem>>, vector<1024x512xf32>,
    return
  }
}

</mosaic_0001>

<sc_bundles>
// kernel: kernel.12.cloned.1.call-start
scs
__scs_entry_jumppad:
0x0: {  	(pc) =	sbr.rel $0x88, $3  }
0x1: {  	(tag) =	ssettag $0x0;
	lr =	simm.s32 $0x1  }
0x2: {  	[smem:$0x3F98] =	sst lr;
	_ =	strace $0xD0000000  }
0x3: {  	_ = 	snop  }
0x4: {  	_ = 	snop  }
0x5: {  	_ = 	snop  }
0x6: {  	_ = 	snop  }
0x7: {  	_ = 	snop  }
__scs_overlays_trampoline_lowered:
0x8: {  	[smem:$0x3FA7] =	sst s0  }
0x9: {  	[smem:$0x3FA8] =	sst s1  }
0xa: {  	[smem:$0x3FA9] =	sst s2  }
0xb: {  	[smem:$0x3FAA] =	sst s3  }
0xc: {  	[smem:$0x3FAB] =	sst s4  }
0xd: {  	[smem:$0x3FAC] =	sst s5  }
0xe: {  	[smem:$0x3FAD] =	sst s6  }
0xf: {  	[smem:$0x3FAE] =	sst s7  }
0x10: {  	[smem:$0x3FAF] =	sst s8  }
0x11: {  	[smem:$0x3FB0] =	sst s9;
	s0 =	simm.s32 @!p0 $0x0  }
0x12: {  	s1 =	sld [smem:$0x3F96];
	s0 =	simm.s32 @p0 $0x1  }
0x13: {  	[smem:$0x3FB1] =	sst s0;
	s0 =	simm.s32 @!p1 $0x0  }
0x14: {  	s2 =	sld [smem:$0x3F95];
	s0 =	simm.s32 @p1 $0x1  }
0x15: {  	[smem:$0x3FB2] =	sst s0;
	s0 =	simm.s32 @!p2 $0x0  }
0x16: {  	s3 =	sld [smem:$0x3FDB];
	s0 =	simm.s32 @p2 $0x1  }
0x17: {  	s4 =	simm.s32 $0x1BF5;
	[smem:$0x3FB4] =	sst s0  }
0x18: {  	s0 =	sld [smem:$0x3F97];
	_ =	swait.ge [sflag:s4], $0x0  }
0x19: {  	s7 =	sld [smem:$0x3F98]  }
0x1a: {  	s8 =	sadd.s32 $0xFFFFE003, lr  }
0x1b: {  	s9 =	sadd.s32 $0xFFFFFEF7, lr;
	s5 =	simm.s32 $0xFFFFFFFF;
	p2 =	slt.u32 s8, $0xFFFFF086  }
0x1c: {  	p1 =	slt.u32 s9, $0xF7A;
	s5 =	simm.s32 @!p2 $0x0  }
0x1d: {  	s5 =	simm.s32 @p1 $0x1;
	p0 =	seq.s32 s7, s2  }
0x1e: {  	s7 =	smul.u32 @!p0 $0xF7A, s2;
	p2 =	seq.s32 @!p0 s5, $0x0  }
0x1f: {  	s9 =	smul.u32 $0xF7A, s1;
	s8 =	simm.s32 @!p0 $0x1BF5;
	p2 =	por !p2, p0  }
0x20: {  	[sflag:s8] =	ssyncset.s32 @!p0 $0xFFFFF086;
	s6 =	sadd.s32 @!p0 s3, s7;
	s7 =	simm.s32 @!p0 $0x108  }
0x21: {  	s3 =	sadd.s32 s3, s9;
	s6 =	sadd.s32 @!p0 $0x88, s6;
	s7 =	simm.s32 @p2 $0x1082  }
0x22: {  	[simem:s7], [sflag:s8] =	dma.local @!p0 [hbm:s6], $0xF7A  }
0x23: {  	s9 =	sor.u32 $0xD0000000, s2;
	s6 =	simm.s32 $0x108;
	_ =	swait.ge @!p0 [sflag:s8], $0x0  }
0x24: {  	s3 =	sadd.s32 $0x88, s3;
	s6 =	simm.s32 @!p1 $0x1082;
	[sflag:s4] =	ssyncset.s32 $0xFFFFF086  }
0x25: {  	[simem:s6], [sflag:s4] =	dma.local [hbm:s3], $0xF7A  }
0x26: {  	[smem:$0x3F98] =	sst s1;
	(tag) =	ssettag s2;
	_ =	strace s9  }
0x27: {  	s1 =	sld [smem:$0x3FA8]  }
0x28: {  	s2 =	sld [smem:$0x3FA9]  }
0x29: {  	s4 =	sld [smem:$0x3FAB]  }
0x2a: {  	p0 =	seq.s32 s5, $0x0;
	s5 =	sld [smem:$0x3FAC]  }
0x2b: {  	s6 =	sld [smem:$0x3FAD]  }
0x2c: {  	s7 =	sld [smem:$0x3FAE]  }
0x2d: {  	s3 =	simm.s32 $0x108;
	s8 =	sld [smem:$0x3FAF]  }
0x2e: {  	s3 =	simm.s32 @!p0 $0x1082;
	s9 =	sld [smem:$0x3FB0]  }
0x2f: {  	lr =	sadd.s32 s0, s3;
	s0 =	sld [smem:$0x3FA7]  }
0x30: {  	s3 =	sld [smem:$0x3FAA]  }
0x31: {  	[smem:$0x3FB3] =	sst s10  }
0x32: {  	s10 =	sld [smem:$0x3FB1];
	_ =	sdelay $0x3  }
0x33: {  	p0 =	seq.s32 s10, $0x1;
	s10 =	sld [smem:$0x3FB3];
	_ =	sdelay $0x3  }
0x34: {  	[smem:$0x3FB3] =	sst s10  }
0x35: {  	s10 =	sld [smem:$0x3FB2];
	_ =	sdelay $0x3  }
0x36: {  	p1 =	seq.s32 s10, $0x1;
	s10 =	sld [smem:$0x3FB3];
	_ =	sdelay $0x3  }
0x37: {  	[smem:$0x3FB3] =	sst s10  }
0x38: {  	s10 =	sld [smem:$0x3FB4]  }
0x39: {  	_ = 	snop;
	(pc) =	sbr.ind lr, $3  }
0x3a: {  	_ = 	snop  }
0x3b: {  	_ = 	snop  }
0x3c: {  	p2 =	seq.s32 s10, $0x1;
	s10 =	sld [smem:$0x3FB3]  }
0x3d: {  	_ =	shalt  }
0x3e: {  	_ =	shalt  }
0x3f: {  	_ =	shalt  }
0x40: {  	_ =	shalt  }
0x41: {  	_ =	shalt  }
0x42: {  	_ =	shalt  }
0x43: {  	_ =	shalt  }
0x44: {  	_ =	shalt  }
0x45: {  	_ =	shalt  }
0x46: {  	_ =	shalt  }
0x47: {  	_ =	shalt  }
0x48: {  	_ =	shalt  }
0x49: {  	_ =	shalt  }
0x4a: {  	_ =	shalt  }
0x4b: {  	_ =	shalt  }
0x4c: {  	_ =	shalt  }
0x4d: {  	_ =	shalt  }
0x4e: {  	_ =	shalt  }
0x4f: {  	_ =	shalt  }
0x50: {  	_ =	shalt  }
0x51: {  	_ =	shalt  }
0x52: {  	_ =	shalt  }
0x53: {  	_ =	shalt  }
0x54: {  	_ =	shalt  }
0x55: {  	_ =	shalt  }
0x56: {  	_ =	shalt  }
0x57: {  	_ =	shalt  }
0x58: {  	_ =	shalt  }
0x59: {  	_ =	shalt  }
0x5a: {  	_ =	shalt  }
0x5b: {  	_ =	shalt  }
0x5c: {  	_ =	shalt  }
0x5d: {  	_ =	shalt  }
0x5e: {  	_ =	shalt  }
0x5f: {  	_ =	shalt  }
0x60: {  	_ =	shalt  }
0x61: {  	_ =	shalt  }
0x62: {  	_ =	shalt  }
0x63: {  	_ =	shalt  }
0x64: {  	_ =	shalt  }
0x65: {  	_ =	shalt  }
0x66: {  	_ =	shalt  }
0x67: {  	_ =	shalt  }
0x68: {  	_ =	shalt  }
0x69: {  	_ =	shalt  }
0x6a: {  	_ =	shalt  }
0x6b: {  	_ =	shalt  }
0x6c: {  	_ =	shalt  }
0x6d: {  	_ =	shalt  }
0x6e: {  	_ =	shalt  }
0x6f: {  	_ =	shalt  }
0x70: {  	_ =	shalt  }
0x71: {  	_ =	shalt  }
0x72: {  	_ =	shalt  }
0x73: {  	_ =	shalt  }
0x74: {  	_ =	shalt  }
0x75: {  	_ =	shalt  }
0x76: {  	_ =	shalt  }
0x77: {  	_ =	shalt  }
0x78: {  	_ =	shalt  }
0x79: {  	_ =	shalt  }
0x7a: {  	_ =	shalt  }
0x7b: {  	_ =	shalt  }
0x7c: {  	_ =	shalt  }
0x7d: {  	_ =	shalt  }
0x7e: {  	_ =	shalt  }
0x7f: {  	_ =	shalt  }
0x80: {  	_ =	shalt  }
0x81: {  	_ =	shalt  }
0x82: {  	_ =	shalt  }
0x83: {  	_ =	shalt  }
0x84: {  	_ =	shalt  }
0x85: {  	_ =	shalt  }
0x86: {  	_ =	shalt  }
0x87: {  	_ =	shalt  }
.Lfunc_end0:
.L_simem_size_0:
called_computation.1_lowered:
.L_overlay_start_0:
0x88: {  	s2 =	sld [smem:$0x3FD9]  }
0x89: {  	s3 =	sld [smem:$0x3FFE];
	_ =	sdelay $0x1  }
0x8a: {  	s1 =	srdreg.scid  }
0x8b: {  	s0 =	sand.u32 $0x1, s1  }
0x8c: {  	s16 =	sshll.u32 s0, $0xA;
	s2 =	sadd.s32 s3, s2  }
0x8d: {  	s2 =	sadd.s32 s2, s16  }
0x8e: {  	[smem:$0x3FBF] =	sst s2  }
0x8f: {  	_ = 	snop  }
0x90: {  	(tm) =	ssettm $0x1  }
0x91: {  	s17 =	sld [smem:$0x3FFB];
	_ =	sdelay $0x3  }
0x92: {  	_ =	strace s17  }
0x93: {  	s2 =	sld [smem:$0x3FFC];
	_ =	sdelay $0x3  }
0x94: {  	_ =	strace s2  }
0x95: {  	s2 =	sld [smem:$0x3FFD];
	_ =	sdelay $0x3  }
0x96: {  	_ =	strace s2  }
0x97: {  	_ =	strace $0x8FFFFFFF  }
0x98: {  	s18 =	sld [smem:$0x3FDB];
	_ =	sdelay $0x1  }
0x99: {  	s19 =	simm.s32 $_scs_section_size  }
0x9a: {  	s4 =	simm.s32 $_size__tile_overlayer_lowered;
	s5 =	simm.s32 $_tile_overlayer_lowered  }
0x9b: {  	s22 =	simm.s32 $0x1BFF;
	s21 =	sshll.u32 s5, $0x1;
	s2 =	sadd.s32 s19, s18  }
0x9c: {  	s6 =	simm.s32 $0x0;
	s20 =	sshll.u32 s4, $0x1;
	s4 =	sadd.s32 s21, s2  }
0x9d: {  	[timem:s6], [sflag:s22] =	dma.local [hbm:s4], s20  }
0x9e: {  	_ =	swait.ge [sflag:s22], s20  }
0x9f: {  	s3 =	ssub.s32 $0x0, s20;
	[sflag:s22] =	ssyncset.done $0x0  }
0xa0: {  	[sflag:s22] =	ssyncadd.s32 s3;
	_ =	sdelay $0x1  }
0xa1: {  	s23 =	simm.s32 $0x1B8B  }
0xa2: {  	_ =	swait.ge [sflag:s23], $0x1  }
0xa3: {  	[sflag:s23] =	ssyncset.done $0x0  }
0xa4: {  	s25 =	simm.s32 $0x1B8E;
	s24 =	sld [smem:$0x3FFE];
	[sflag:s23] =	ssyncadd.s32 $0xFFFFFFFF  }
0xa5: {  	s26 =	simm.s32 $execute0_lowered;
	[smem:$0x3FD2] =	sst s25  }
0xa6: {  	s4 =	sshll.u32 s26, $0x1;
	_ =	strace $0x80000049;
	[dreg:$0x1] =	wrdreg $0xFFFFFFFF  }
0xa7: {  	s28 =	simm.s32 $_size_execute0_lowered;
	s2 =	sadd.s32 s2, s4;
	[dreg:$0x0] =	wrdreg $0x0  }
0xa8: {  	s4 =	sshll.u32 s28, $0x1;
	[dreg:$0x2] =	wrdreg s2  }
0xa9: {  	[dreg:$0x3] =	wrdreg s4  }
0xaa: {  	[dreg:$0x4] =	wrdreg $0xC0  }
0xab: {  	_ =	task [dreg:s6], $0x5FFFF  }
0xac: {  	[dreg:$0x1] =	wrdreg $0xFFFFFFFF  }
0xad: {  	[dreg:$0x0] =	wrdreg $0x60  }
0xae: {  	[dreg:$0x2] =	wrdreg s24  }
0xaf: {  	[dreg:$0x3] =	wrdreg $0x9  }
0xb0: {  	_ =	task.clear_ibuf [dreg:s6], $0x4FFFF;
	_ =	strace $0x90000049  }
0xb1: {  	s29 =	simm.s32 $0x9;
	_ =	strace $0x8000004B  }
0xb2: {  	_ =	swait.ge [sflag:s29], $0x1  }
0xb3: {  	[sflag:s29] =	ssyncadd.s32 $0xFFFFFFFF  }
0xb4: {  	_ =	strace $0x9000004B  }
0xb5: {  	_ =	sfence  }
0xb6: {  	s30 =	sld [smem:$0x0];
	_ =	sdelay $0x2  }
0xb7: {  	s31 =	sshll.u32 s1, $0xD;
	s1 =	sshrl.u32 s1, $0x2  }
0xb8: {  	s3 =	sand.u32 $0x4000, s31;
	s1 =	sadd.s32 s1, s30  }
0xb9: {  	s0 =	sor.u32 s3, s0;
	s1 =	sshll.u32 s1, $0x11  }
0xba: {  	s0 =	sor.u32 s1, s0  }
0xbb: {  	s0 =	sadd.s32 $0x8F2B, s0  }
0xbc: {  	[sflag:s0] =	ssyncadd.remote.s32 $0x1  }
0xbd: {  	_ =	sfence.sel $0xFFFF  }
0xbe: {  	[dreg:$0x0] =	wrdreg $0xFFFFFFFF;
	(pc) =	sbr.abs _section_cstart, $3  }
0xbf: {  	[dreg:$0x1] =	wrdreg $0xFFFFFFFF  }
0xc0: {  	_ =	task.clear_ibuf [dreg:s6], $0x2FFFF;
	_ =	strace $0x9FFFFFFF  }
0xc1: {  	(tm) =	ssettm $0x7FFFFFFF  }
tec
execute0_lowered:
.L_overlay_start_1:
0x0: {  	(tag) =	ssettag $0x1  }
0x1: {  	s3 =	rddreg [dreg:$0x0]  }
0x2: {  	s0 =	rddreg [dreg:$0x1];
	s4 =	srdreg.scid  }
0x3: {  	s2 =	simm.s32 $0x0;
	s1 =	stileid.u32;
	s4 =	sand.u32 $0x1, s4  }
0x4: {  	[smem:$0x7FF] =	sst s2;
	s5 =	sshll.u32 s1, $0x6;
	s6 =	sshll.u32 s4, $0x5  }
0x5: {  	s8 =	simm.s32 $0x0;
	_ =	strace $0x8000004A;
	s5 =	sor.u32 s6, s5  }
0x6: {  	s4 =	ssub.s32 $0x2, s4;
	s6 =	sshll.u32 s5, $0x6;
	s5 =	sshll.u32 s5, $0x4  }
0x7: {  	s7 =	sshrl.u32 s4, $0x1;
	s6 =	sadd.s32 s6, s3;
	s5 =	sadd.s32 s5, s3  }
0x8: {  	s7 =	ssub.s32 s4, s7;
	s3 =	sadd.s32 $0x3600, s6;
	s4 =	sadd.s32 $0x13600, s5  }
0x9: {  	s5 =	smax.u32 s7, $0x1;
	s6 =	simm.s32 $0x1;
	s7 =	simm.s32 $0x4000  }
.LBB2_1:
0xa: {  	[tilespmem:s2], [sflag:$0x1] =	stream.linear.gather [hbm4b:s3+s2], $0x4000, $0x38;
	[tilespmem:$0x5000] =	vst v63  }
0xb: {  	_ =	swait.ge [sflag:s6], $0x4000  }
0xc: {  	[sflag:s6] =	ssyncset.done $0x0  }
0xd: {  	s9 =	simm.s32 $0x0;
	[sflag:s6] =	ssyncadd.s32 $0xFFFFC000  }
.LBB2_2:
0xe: {  	s10 =	sshll.u32 s9, $0x9;
	s11 =	sshll.u32 s9, $0x7  }
0xf: {  	s12 =	sand.u32 $0x3000, s10;
	s11 =	sand.u32 $0x380, s11  }
0x10: {  	s11 =	sor.u32 s11, s12  }
0x11: {  	v30 =	vld [tilespmem:s11+$0x0]  }
0x12: {  	v32 =	vld [tilespmem:s11+$0x10]  }
0x13: {  	v31 =	vld [tilespmem:s11+$0x20]  }
0x14: {  	v29 =	vld [tilespmem:s11+$0x30]  }
0x15: {  	v28 =	vld [tilespmem:s11+$0x40]  }
0x16: {  	v27 =	vld [tilespmem:s11+$0x50]  }
0x17: {  	v26 =	vld [tilespmem:s11+$0x60]  }
0x18: {  	v25 =	vld [tilespmem:s11+$0x70]  }
0x19: {  	v24 =	vld [tilespmem:s11+$0x400]  }
0x1a: {  	v23 =	vld [tilespmem:s11+$0x410]  }
0x1b: {  	v22 =	vld [tilespmem:s11+$0x420]  }
0x1c: {  	v21 =	vld [tilespmem:s11+$0x430]  }
0x1d: {  	v20 =	vld [tilespmem:s11+$0x440]  }
0x1e: {  	v19 =	vld [tilespmem:s11+$0x450]  }
0x1f: {  	v18 =	vld [tilespmem:s11+$0x460]  }
0x20: {  	v17 =	vld [tilespmem:s11+$0x470]  }
0x21: {  	v16 =	vld [tilespmem:s11+$0x800]  }
0x22: {  	v15 =	vld [tilespmem:s11+$0x810]  }
0x23: {  	v14 =	vld [tilespmem:s11+$0x820]  }
0x24: {  	v13 =	vld [tilespmem:s11+$0x830]  }
0x25: {  	v12 =	vld [tilespmem:s11+$0x840]  }
0x26: {  	v11 =	vld [tilespmem:s11+$0x850]  }
0x27: {  	v10 =	vld [tilespmem:s11+$0x860]  }
0x28: {  	v9 =	vld [tilespmem:s11+$0x870]  }
0x29: {  	v8 =	vld [tilespmem:s11+$0xC00]  }
0x2a: {  	v7 =	vld [tilespmem:s11+$0xC10]  }
0x2b: {  	v6 =	vld [tilespmem:s11+$0xC20]  }
0x2c: {  	v0 =	vimm.f32 $9.999999970e-07;
	v5 =	vld [tilespmem:s11+$0xC30]  }
0x2d: {  	v4 =	vld [tilespmem:s11+$0xC40];
	v34 =	vadd.f32 v30, v0  }
0x2e: {  	v3 =	vld [tilespmem:s11+$0xC50]  }
0x2f: {  	v2 =	vld [tilespmem:s11+$0xC60];
	v33 =	vadd.f32 v32, v0;
	(erf) = vrcp.f32 v34  }
0x30: {  	v1 =	vld [tilespmem:s11+$0xC70];
	s11 =	simm.s32 $0x7  }
.LBB2_3:
0x31: {  	p0 =	sne.s32 s11, $0x1;
	v34 =	vadd.f32 v31, v0;
	(erf) = vrcp.f32 v33;
	_ =	sdelay $0x1  }
0x32: {  	v33 =	vadd.f32 v29, v0;
	(erf) = vrcp.f32 v34;
	_ =	sdelay $0x1  }
0x33: {  	v35 =	vadd.f32 v28, v0;
	(erf) = vrcp.f32 v33;
	_ =	sdelay $0x1  }
0x34: {  	v37 =	vadd.f32 v27, v0;
	(erf) = vrcp.f32 v35  }
0x35: {  	v34 =	vpop (erf)  }
0x36: {  	v38 =	vadd.f32 v26, v0;
	v35 =	vadd.f32 $0.0e+00, v34;
	(erf) = vrcp.f32 v37  }
0x37: {  	v33 =	vpop (erf)  }
0x38: {  	v37 =	vadd.f32 v25, v0;
	v35 =	vadd.f32 v33, v35;
	(erf) = vrcp.f32 v38  }
0x39: {  	v34 =	vmul.f32 v34, v34;
	v33 =	vmul.f32 v33, v33;
	v36 =	vpop (erf)  }
0x3a: {  	v38 =	vadd.f32 v24, v0;
	v35 =	vadd.f32 v36, v35;
	(erf) = vrcp.f32 v37  }
0x3b: {  	v33 =	vadd.f32 v33, v34;
	v34 =	vmul.f32 v36, v36;
	v36 =	vpop (erf)  }
0x3c: {  	v37 =	vadd.f32 v23, v0;
	v35 =	vadd.f32 v36, v35;
	(erf) = vrcp.f32 v38  }
0x3d: {  	v33 =	vadd.f32 v34, v33;
	v34 =	vmul.f32 v36, v36;
	v36 =	vpop (erf)  }
0x3e: {  	v38 =	vadd.f32 v22, v0;
	v35 =	vadd.f32 v36, v35;
	(erf) = vrcp.f32 v37  }
0x3f: {  	v33 =	vadd.f32 v34, v33;
	v34 =	vmul.f32 v36, v36;
	v36 =	vpop (erf)  }
0x40: {  	v37 =	vadd.f32 v21, v0;
	v35 =	vadd.f32 v36, v35;
	(erf) = vrcp.f32 v38  }
0x41: {  	v33 =	vadd.f32 v34, v33;
	v34 =	vmul.f32 v36, v36;
	v36 =	vpop (erf)  }
0x42: {  	v38 =	vadd.f32 v20, v0;
	v35 =	vadd.f32 v36, v35;
	(erf) = vrcp.f32 v37  }
0x43: {  	v33 =	vadd.f32 v34, v33;
	v34 =	vmul.f32 v36, v36;
	v36 =	vpop (erf)  }
0x44: {  	v37 =	vadd.f32 v19, v0;
	v35 =	vadd.f32 v36, v35;
	(erf) = vrcp.f32 v38  }
0x45: {  	v33 =	vadd.f32 v34, v33;
	v34 =	vmul.f32 v36, v36;
	v36 =	vpop (erf)  }
0x46: {  	v38 =	vadd.f32 v18, v0;
	v35 =	vadd.f32 v36, v35;
	(erf) = vrcp.f32 v37  }
0x47: {  	v33 =	vadd.f32 v34, v33;
	v34 =	vmul.f32 v36, v36;
	v36 =	vpop (erf)  }
0x48: {  	v37 =	vadd.f32 v17, v0;
	v35 =	vadd.f32 v36, v35;
	(erf) = vrcp.f32 v38  }
0x49: {  	v33 =	vadd.f32 v34, v33;
	v34 =	vmul.f32 v36, v36;
	v36 =	vpop (erf)  }
0x4a: {  	v38 =	vadd.f32 v16, v0;
	v35 =	vadd.f32 v36, v35;
	(erf) = vrcp.f32 v37  }
0x4b: {  	v33 =	vadd.f32 v34, v33;
	v34 =	vmul.f32 v36, v36;
	v36 =	vpop (erf)  }
0x4c: {  	v37 =	vadd.f32 v15, v0;
	v35 =	vadd.f32 v36, v35;
	(erf) = vrcp.f32 v38  }
0x4d: {  	v33 =	vadd.f32 v34, v33;
	v34 =	vmul.f32 v36, v36;
	v36 =	vpop (erf)  }
0x4e: {  	v38 =	vadd.f32 v14, v0;
	v35 =	vadd.f32 v36, v35;
	(erf) = vrcp.f32 v37  }
0x4f: {  	v33 =	vadd.f32 v34, v33;
	v34 =	vmul.f32 v36, v36;
	v36 =	vpop (erf)  }
0x50: {  	v37 =	vadd.f32 v13, v0;
	v35 =	vadd.f32 v36, v35;
	(erf) = vrcp.f32 v38  }
0x51: {  	v33 =	vadd.f32 v34, v33;
	v34 =	vmul.f32 v36, v36;
	v36 =	vpop (erf)  }
0x52: {  	v38 =	vadd.f32 v12, v0;
	v35 =	vadd.f32 v36, v35;
	(erf) = vrcp.f32 v37  }
0x53: {  	v33 =	vadd.f32 v34, v33;
	v34 =	vmul.f32 v36, v36;
	v36 =	vpop (erf)  }
0x54: {  	v37 =	vadd.f32 v11, v0;
	v35 =	vadd.f32 v36, v35;
	(erf) = vrcp.f32 v38  }
0x55: {  	v33 =	vadd.f32 v34, v33;
	v34 =	vmul.f32 v36, v36;
	v36 =	vpop (erf)  }
0x56: {  	v38 =	vadd.f32 v10, v0;
	v35 =	vadd.f32 v36, v35;
	(erf) = vrcp.f32 v37  }
0x57: {  	v33 =	vadd.f32 v34, v33;
	v34 =	vmul.f32 v36, v36;
	v36 =	vpop (erf)  }
0x58: {  	v37 =	vadd.f32 v9, v0;
	v35 =	vadd.f32 v36, v35;
	(erf) = vrcp.f32 v38  }
0x59: {  	v33 =	vadd.f32 v34, v33;
	v34 =	vmul.f32 v36, v36;
	v36 =	vpop (erf)  }
0x5a: {  	v38 =	vadd.f32 v8, v0;
	v35 =	vadd.f32 v36, v35;
	(erf) = vrcp.f32 v37  }
0x5b: {  	v33 =	vadd.f32 v34, v33;
	v34 =	vmul.f32 v36, v36;
	v36 =	vpop (erf)  }
0x5c: {  	v37 =	vadd.f32 v7, v0;
	v35 =	vadd.f32 v36, v35;
	(erf) = vrcp.f32 v38  }
0x5d: {  	v33 =	vadd.f32 v34, v33;
	v34 =	vmul.f32 v36, v36;
	v36 =	vpop (erf)  }
0x5e: {  	v38 =	vadd.f32 v6, v0;
	v35 =	vadd.f32 v36, v35;
	(erf) = vrcp.f32 v37  }
0x5f: {  	v33 =	vadd.f32 v34, v33;
	v34 =	vmul.f32 v36, v36;
	v36 =	vpop (erf)  }
0x60: {  	v37 =	vadd.f32 v5, v0;
	v35 =	vadd.f32 v36, v35;
	(erf) = vrcp.f32 v38  }
0x61: {  	v33 =	vadd.f32 v34, v33;
	v34 =	vmul.f32 v36, v36;
	v36 =	vpop (erf)  }
0x62: {  	v38 =	vadd.f32 v4, v0;
	v35 =	vadd.f32 v36, v35;
	(erf) = vrcp.f32 v37  }
0x63: {  	v33 =	vadd.f32 v34, v33;
	v34 =	vmul.f32 v36, v36;
	v36 =	vpop (erf)  }
0x64: {  	v37 =	vadd.f32 v3, v0;
	v35 =	vadd.f32 v36, v35;
	(erf) = vrcp.f32 v38  }
0x65: {  	v33 =	vadd.f32 v34, v33;
	v34 =	vmul.f32 v36, v36;
	v36 =	vpop (erf)  }
0x66: {  	v38 =	vadd.f32 v2, v0;
	v35 =	vadd.f32 v36, v35;
	(erf) = vrcp.f32 v37  }
0x67: {  	v33 =	vadd.f32 v34, v33;
	v34 =	vmul.f32 v36, v36;
	v36 =	vpop (erf)  }
0x68: {  	v37 =	vadd.f32 v1, v0;
	v35 =	vadd.f32 v36, v35;
	(erf) = vrcp.f32 v38  }
0x69: {  	v33 =	vadd.f32 v34, v33;
	v34 =	vmul.f32 v36, v36;
	v36 =	vpop (erf)  }
0x6a: {  	v35 =	vadd.f32 v36, v35;
	(erf) = vrcp.f32 v37  }
0x6b: {  	v33 =	vadd.f32 v34, v33;
	v34 =	vmul.f32 v36, v36;
	v36 =	vpop (erf)  }
0x6c: {  	v35 =	vadd.f32 v36, v35  }
0x6d: {  	v33 =	vadd.f32 v34, v33;
	v34 =	vmul.f32 v36, v36;
	v36 =	vpop (erf)  }
0x6e: {  	v35 =	vadd.f32 v36, v35  }
0x6f: {  	v33 =	vadd.f32 v34, v33;
	v34 =	vmul.f32 v36, v36;
	v36 =	vpop (erf)  }
0x70: {  	v35 =	vadd.f32 v36, v35  }
0x71: {  	v33 =	vadd.f32 v34, v33;
	v34 =	vmul.f32 v36, v36;
	v36 =	vpop (erf)  }
0x72: {  	v35 =	vadd.f32 v36, v35  }
0x73: {  	v33 =	vadd.f32 v34, v33;
	v34 =	vmul.f32 v36, v36;
	v36 =	vpop (erf)  }
0x74: {  	v35 =	vadd.f32 v36, v35  }
0x75: {  	v33 =	vadd.f32 v34, v33;
	v34 =	vmul.f32 v36, v36  }
0x76: {  	(xrf2) =	vadd.scan.msk.f32 $0xffff, v35  }
0x77: {  	v33 =	vadd.f32 v34, v33;
	_ =	sdelay $0x1  }
0x78: {  	(xrf2) =	vadd.scan.msk.f32 $0xffff, v33;
	_ =	sdelay $0x6  }
0x79: {  	v33, _, _ =	vpop (xrf2);
	_ =	sdelay $0x2  }
0x7a: {  	v34, _, _ =	vpop (xrf2)  }
0x7b: {  	v34 =	vbroadcast v34, $0xF;
	_ =	sdelay $0x1  }
0x7c: {  	v33 =	vbroadcast v33, $0xF;
	v34 =	vmul.f32 v34, v0;
	_ =	sdelay $0x1  }
0x7d: {  	v34 =	vsub.f32 v33, v34;
	_ =	sdelay $0x1  }
0x7e: {  	(erf) = vrcp.f32 v34;
	_ =	sdelay $0x5  }
0x7f: {  	v33 =	vmul.f32 v33, v0;
	_ =	sdelay $0x1  }
0x80: {  	v33 =	vadd.f32 $-1.000000000e+02, v33  }
0x81: {  	v34 =	vpop (erf)  }
0x82: {  	v33 =	vmul.f32 v34, v33;
	_ =	sdelay $0x1  }
0x83: {  	v0 =	vsub.f32 v0, v33;
	_ =	sdelay $0x1  }
.Ltmp0:
0x84: {  	v0 =	vand.u32 $0x7FFFFFFF, v0;
	(pc) =	sbr.rel @p0 .LBB2_3-.Ltmp0, $3  }
0x85: {  	v34 =	vadd.f32 v30, v0;
	_ =	sdelay $0x1  }
0x86: {  	v33 =	vadd.f32 v32, v0;
	(erf) = vrcp.f32 v34  }
0x87: {  	s11 =	sadd.s32 $0xFFFFFFFF, s11  }
0x88: {  	v30 =	vadd.f32 v31, v0;
	(erf) = vrcp.f32 v33;
	_ =	sdelay $0x1  }
0x89: {  	v29 =	vadd.f32 v29, v0;
	(erf) = vrcp.f32 v30;
	_ =	sdelay $0x1  }
0x8a: {  	v28 =	vadd.f32 v28, v0;
	(erf) = vrcp.f32 v29;
	_ =	sdelay $0x1  }
0x8b: {  	v27 =	vadd.f32 v27, v0;
	(erf) = vrcp.f32 v28;
	_ =	sdelay $0x1  }
0x8c: {  	v26 =	vadd.f32 v26, v0;
	v35 =	vpop (erf);
	(erf) = vrcp.f32 v27  }
0x8d: {  	v36 =	vadd.f32 $0.0e+00, v35;
	v38 =	vmul.f32 v35, v35;
	v37 =	vpop (erf)  }
0x8e: {  	v25 =	vadd.f32 v25, v0;
	(erf) = vrcp.f32 v26;
	v39 =	vmul.f32 v37, v37  }
0x8f: {  	v24 =	vadd.f32 v24, v0;
	v27 =	vadd.f32 v37, v36;
	v40 =	vpop (erf)  }
0x90: {  	(erf) = vrcp.f32 v25;
	v41 =	vadd.f32 v39, v38;
	v42 =	vmul.f32 v40, v40  }
0x91: {  	v23 =	vadd.f32 v23, v0;
	v27 =	vadd.f32 v40, v27;
	v43 =	vpop (erf)  }
0x92: {  	(erf) = vrcp.f32 v24;
	v45 =	vmul.f32 v43, v43;
	v44 =	vadd.f32 v42, v41  }
0x93: {  	v22 =	vadd.f32 v22, v0;
	v47 =	vpop (erf);
	v46 =	vadd.f32 v43, v27  }
0x94: {  	(erf) = vrcp.f32 v23;
	v49 =	vmul.f32 v47, v47;
	v48 =	vadd.f32 v45, v44  }
0x95: {  	v21 =	vadd.f32 v21, v0;
	v50 =	vadd.f32 v47, v46;
	v51 =	vpop (erf)  }
0x96: {  	(erf) = vrcp.f32 v22;
	v53 =	vmul.f32 v51, v51;
	v52 =	vadd.f32 v49, v48  }
0x97: {  	v20 =	vadd.f32 v20, v0;
	v54 =	vadd.f32 v51, v50;
	v55 =	vpop (erf)  }
0x98: {  	(erf) = vrcp.f32 v21;
	v57 =	vmul.f32 v55, v55;
	v56 =	vadd.f32 v53, v52  }
0x99: {  	v19 =	vadd.f32 v19, v0;
	v58 =	vadd.f32 v55, v54;
	v59 =	vpop (erf)  }
0x9a: {  	(erf) = vrcp.f32 v20;
	v61 =	vmul.f32 v59, v59;
	v60 =	vadd.f32 v57, v56  }
0x9b: {  	v18 =	vadd.f32 v18, v0;
	v63 =	vpop (erf);
	v62 =	vadd.f32 v59, v58  }
0x9c: {  	(erf) = vrcp.f32 v19;
	v25 =	vmul.f32 v63, v63;
	v24 =	vadd.f32 v61, v60  }
0x9d: {  	v17 =	vadd.f32 v17, v0;
	v27 =	vpop (erf);
	v26 =	vadd.f32 v63, v62  }
0x9e: {  	(erf) = vrcp.f32 v18;
	v29 =	vmul.f32 v27, v27;
	v28 =	vadd.f32 v25, v24  }
0x9f: {  	v16 =	vadd.f32 v16, v0;
	v31 =	vpop (erf);
	v30 =	vadd.f32 v27, v26  }
0xa0: {  	(erf) = vrcp.f32 v17;
	v33 =	vmul.f32 v31, v31;
	v32 =	vadd.f32 v29, v28  }
0xa1: {  	v15 =	vadd.f32 v15, v0;
	v35 =	vpop (erf);
	v34 =	vadd.f32 v31, v30  }
0xa2: {  	(erf) = vrcp.f32 v16;
	v37 =	vmul.f32 v35, v35;
	v36 =	vadd.f32 v33, v32  }
0xa3: {  	v14 =	vadd.f32 v14, v0;
	v39 =	vpop (erf);
	v38 =	vadd.f32 v35, v34  }
0xa4: {  	(erf) = vrcp.f32 v15;
	v41 =	vmul.f32 v39, v39;
	v40 =	vadd.f32 v37, v36  }
0xa5: {  	v13 =	vadd.f32 v13, v0;
	v43 =	vpop (erf);
	v42 =	vadd.f32 v39, v38  }
0xa6: {  	(erf) = vrcp.f32 v14;
	v45 =	vmul.f32 v43, v43;
	v44 =	vadd.f32 v41, v40  }
0xa7: {  	v12 =	vadd.f32 v12, v0;
	v47 =	vpop (erf);
	v46 =	vadd.f32 v43, v42  }
0xa8: {  	(erf) = vrcp.f32 v13;
	v49 =	vmul.f32 v47, v47;
	v48 =	vadd.f32 v45, v44  }
0xa9: {  	v11 =	vadd.f32 v11, v0;
	v51 =	vpop (erf);
	v50 =	vadd.f32 v47, v46  }
0xaa: {  	(erf) = vrcp.f32 v12;
	v53 =	vmul.f32 v51, v51;
	v52 =	vadd.f32 v49, v48  }
0xab: {  	v10 =	vadd.f32 v10, v0;
	v55 =	vpop (erf);
	v54 =	vadd.f32 v51, v50  }
0xac: {  	(erf) = vrcp.f32 v11;
	v57 =	vmul.f32 v55, v55;
	v56 =	vadd.f32 v53, v52  }
0xad: {  	v9 =	vadd.f32 v9, v0;
	v59 =	vpop (erf);
	v58 =	vadd.f32 v55, v54  }
0xae: {  	(erf) = vrcp.f32 v10;
	v61 =	vmul.f32 v59, v59;
	v60 =	vadd.f32 v57, v56  }
0xaf: {  	v8 =	vadd.f32 v8, v0;
	v63 =	vpop (erf);
	v62 =	vadd.f32 v59, v58  }
0xb0: {  	(erf) = vrcp.f32 v9;
	v17 =	vmul.f32 v63, v63;
	v16 =	vadd.f32 v61, v60  }
0xb1: {  	v7 =	vadd.f32 v7, v0;
	v19 =	vpop (erf);
	v18 =	vadd.f32 v63, v62  }
0xb2: {  	(erf) = vrcp.f32 v8;
	v21 =	vmul.f32 v19, v19;
	v20 =	vadd.f32 v17, v16  }
0xb3: {  	v6 =	vadd.f32 v6, v0;
	v23 =	vpop (erf);
	v22 =	vadd.f32 v19, v18  }
0xb4: {  	(erf) = vrcp.f32 v7;
	v25 =	vmul.f32 v23, v23;
	v24 =	vadd.f32 v21, v20  }
0xb5: {  	v5 =	vadd.f32 v5, v0;
	v27 =	vpop (erf);
	v26 =	vadd.f32 v23, v22  }
0xb6: {  	(erf) = vrcp.f32 v6;
	v29 =	vmul.f32 v27, v27;
	v28 =	vadd.f32 v25, v24  }
0xb7: {  	v4 =	vadd.f32 v4, v0;
	v31 =	vpop (erf);
	v30 =	vadd.f32 v27, v26  }
0xb8: {  	(erf) = vrcp.f32 v5;
	v33 =	vmul.f32 v31, v31;
	v32 =	vadd.f32 v29, v28  }
0xb9: {  	v3 =	vadd.f32 v3, v0;
	v35 =	vpop (erf);
	v34 =	vadd.f32 v31, v30  }
0xba: {  	(erf) = vrcp.f32 v4;
	v37 =	vmul.f32 v35, v35;
	v36 =	vadd.f32 v33, v32  }
0xbb: {  	v2 =	vadd.f32 v2, v0;
	v39 =	vpop (erf);
	v38 =	vadd.f32 v35, v34  }
0xbc: {  	(erf) = vrcp.f32 v3;
	v41 =	vmul.f32 v39, v39;
	v40 =	vadd.f32 v37, v36  }
0xbd: {  	v1 =	vadd.f32 v1, v0;
	v43 =	vpop (erf);
	v42 =	vadd.f32 v39, v38  }
0xbe: {  	(erf) = vrcp.f32 v2;
	v45 =	vmul.f32 v43, v43;
	v44 =	vadd.f32 v41, v40  }
0xbf: {  	v47 =	vpop (erf);
	v46 =	vadd.f32 v43, v42  }
0xc0: {  	(erf) = vrcp.f32 v1;
	v49 =	vmul.f32 v47, v47;
	v48 =	vadd.f32 v45, v44  }
0xc1: {  	v51 =	vpop (erf);
	v50 =	vadd.f32 v47, v46  }
0xc2: {  	v52 =	vmul.f32 v51, v51;
	v1 =	vadd.f32 v49, v48  }
0xc3: {  	v53 =	vpop (erf);
	v3 =	vadd.f32 v51, v50  }
0xc4: {  	v54 =	vmul.f32 v53, v53;
	v1 =	vadd.f32 v52, v1  }
0xc5: {  	v55 =	vpop (erf);
	v3 =	vadd.f32 v53, v3  }
0xc6: {  	v56 =	vmul.f32 v55, v55;
	v1 =	vadd.f32 v54, v1  }
0xc7: {  	v57 =	vpop (erf);
	v3 =	vadd.f32 v55, v3  }
0xc8: {  	v58 =	vmul.f32 v57, v57;
	v1 =	vadd.f32 v56, v1  }
0xc9: {  	v59 =	vpop (erf);
	v3 =	vadd.f32 v57, v3  }
0xca: {  	v60 =	vmul.f32 v59, v59;
	v1 =	vadd.f32 v58, v1  }
0xcb: {  	v3 =	vadd.f32 v59, v3  }
0xcc: {  	v1 =	vadd.f32 v60, v1  }
0xcd: {  	(xrf2) =	vadd.scan.msk.f32 $0xffff, v3  }
0xce: {  	(xrf2) =	vadd.scan.msk.f32 $0xffff, v1;
	_ =	sdelay $0x8  }
0xcf: {  	v61, _, _ =	vpop (xrf2)  }
0xd0: {  	v62, _, _ =	vpop (xrf2)  }
0xd1: {  	v2 =	vbroadcast v62, $0xF;
	_ =	sdelay $0x1  }
0xd2: {  	v1 =	vbroadcast v61, $0xF;
	v2 =	vmul.f32 v2, v0;
	_ =	sdelay $0x1  }
0xd3: {  	v2 =	vsub.f32 v1, v2;
	_ =	sdelay $0x1  }
0xd4: {  	(erf) = vrcp.f32 v2;
	_ =	sdelay $0x5  }
0xd5: {  	v1 =	vmul.f32 v1, v0;
	_ =	sdelay $0x1  }
0xd6: {  	v1 =	vadd.f32 $-1.000000000e+02, v1  }
0xd7: {  	s9 =	sadd.s32 $0x1, s9;
	v2 =	vpop (erf)  }
0xd8: {  	p0 =	sne.s32 s9, $0x20;
	v1 =	vmul.f32 v2, v1  }
.Ltmp1:
0xd9: {  	_ = 	snop;
	(pc) =	sbr.rel @p0 .LBB2_2-.Ltmp1, $3  }
0xda: {  	v63 =	vsub.f32 v0, v1;
	_ =	sdelay $0x1  }
0xdb: {  	s10 =	sshrl.u32 s10, $0x2;
	v0 =	vand.u32 $0x7FFFFFFF, v63  }
0xdc: {  	[tilespmem:s10+$0x4000] =	vst v0  }
0xdd: {  	s8 =	sadd.s32 $0x1, s8  }
0xde: {  	p0 =	sne.s32 s8, s5  }
.Ltmp2:
0xdf: {  	_ = 	snop;
	(pc) =	sbr.rel @p0 .LBB2_1-.Ltmp2, $4  }
0xe0: {  	[hbm4b:s4+s2] =	stream.linear.scatter [tilespmem:s7], [sflag:$0x1], $0x1000, $0x38;
	[tilespmem:$0x5000] =	vst v63  }
0xe1: {  	_ =	swait.ge [sflag:s6], $0x1000  }
0xe2: {  	[sflag:s6] =	ssyncset.done $0x0  }
0xe3: {  	[sflag:s6] =	ssyncadd.s32 $0xFFFFF000  }
0xe4: {  	_ =	sfence.sel $0x180000  }
0xe5: {  	[bflag:$0x0] =	sbarrier.arrive $0xFFFF  }
0xe6: {  	p0 =	sne.s32 s1, $0x0;
	_ =	strace $0x9000004A  }
0xe7: {  	s0 =	sadd.s32 @!p0 $0x100000, s0;
	[bflag:$0x2] =	sbarrier.arrive $0xFFFF  }
0xe8: {  	[sflag:s0] =	ssyncadd.tile.s32 @!p0 $0x1;
	_ =	shalt  }
.Lfunc_end2:
_tile_overlayer_lowered:
.L_overlay_start_2:
0xe9: {  	(tag) =	ssettag $0x2  }
0xea: {  	s0 =	rddreg [dreg:$0x0];
	s2 =	stileid.u32  }
0xeb: {  	s1 =	rddreg [dreg:$0x1];
	p0 =	sne.s32 s2, $0x0  }
0xec: {  	s3 =	rddreg [dreg:$0x2];
	[bflag:$0x3] =	sbarrier.arrive $0xFFFF;
	s2 =	simm.s32 @!p0 $0x1C01  }
0xed: {  	[timem:s3], [sflag:s2] =	dma.local @!p0 [hbm:s0], s1  }
0xee: {  	s0 =	simm.s32 @!p0 $0x1  }
0xef: {  	_ =	swait.ge @!p0 [sflag:s0], s1  }
0xf0: {  	s1 =	ssub.s32 @!p0 $0x0, s1;
	[sflag:s0] =	ssyncset.done @!p0 $0x0  }
0xf1: {  	[sflag:s0] =	ssyncadd.s32 @!p0 s1  }
0xf2: {  	[bflag:$0x3] =	sbarrier.arrive $0xFFFF  }
0xf3: {  	_ =	shalt  }

// kernel: kernel.15.cloned.1.call-start
scs
__scs_entry_jumppad:
0x0: {  	(pc) =	sbr.rel $0x88, $3  }
0x1: {  	(tag) =	ssettag $0x0;
	lr =	simm.s32 $0x1  }
0x2: {  	[smem:$0x3F98] =	sst lr;
	_ =	strace $0xD0000000  }
0x3: {  	_ = 	snop  }
0x4: {  	_ = 	snop  }
0x5: {  	_ = 	snop  }
0x6: {  	_ = 	snop  }
0x7: {  	_ = 	snop  }
__scs_overlays_trampoline_lowered:
0x8: {  	[smem:$0x3FA7] =	sst s0  }
0x9: {  	[smem:$0x3FA8] =	sst s1  }
0xa: {  	[smem:$0x3FA9] =	sst s2  }
0xb: {  	[smem:$0x3FAA] =	sst s3  }
0xc: {  	[smem:$0x3FAB] =	sst s4  }
0xd: {  	[smem:$0x3FAC] =	sst s5  }
0xe: {  	[smem:$0x3FAD] =	sst s6  }
0xf: {  	[smem:$0x3FAE] =	sst s7  }
0x10: {  	[smem:$0x3FAF] =	sst s8  }
0x11: {  	[smem:$0x3FB0] =	sst s9;
	s0 =	simm.s32 @!p0 $0x0  }
0x12: {  	s1 =	sld [smem:$0x3F96];
	s0 =	simm.s32 @p0 $0x1  }
0x13: {  	[smem:$0x3FB1] =	sst s0;
	s0 =	simm.s32 @!p1 $0x0  }
0x14: {  	s2 =	sld [smem:$0x3F95];
	s0 =	simm.s32 @p1 $0x1  }
0x15: {  	[smem:$0x3FB2] =	sst s0;
	s0 =	simm.s32 @!p2 $0x0  }
0x16: {  	s3 =	sld [smem:$0x3FDB];
	s0 =	simm.s32 @p2 $0x1  }
0x17: {  	s4 =	simm.s32 $0x1BF5;
	[smem:$0x3FB4] =	sst s0  }
0x18: {  	s0 =	sld [smem:$0x3F97];
	_ =	swait.ge [sflag:s4], $0x0  }
0x19: {  	s7 =	sld [smem:$0x3F98]  }
0x1a: {  	s8 =	sadd.s32 $0xFFFFE003, lr  }
0x1b: {  	s9 =	sadd.s32 $0xFFFFFEF7, lr;
	s5 =	simm.s32 $0xFFFFFFFF;
	p2 =	slt.u32 s8, $0xFFFFF086  }
0x1c: {  	p1 =	slt.u32 s9, $0xF7A;
	s5 =	simm.s32 @!p2 $0x0  }
0x1d: {  	s5 =	simm.s32 @p1 $0x1;
	p0 =	seq.s32 s7, s2  }
0x1e: {  	s7 =	smul.u32 @!p0 $0xF7A, s2;
	p2 =	seq.s32 @!p0 s5, $0x0  }
0x1f: {  	s9 =	smul.u32 $0xF7A, s1;
	s8 =	simm.s32 @!p0 $0x1BF5;
	p2 =	por !p2, p0  }
0x20: {  	[sflag:s8] =	ssyncset.s32 @!p0 $0xFFFFF086;
	s6 =	sadd.s32 @!p0 s3, s7;
	s7 =	simm.s32 @!p0 $0x108  }
0x21: {  	s3 =	sadd.s32 s3, s9;
	s6 =	sadd.s32 @!p0 $0x88, s6;
	s7 =	simm.s32 @p2 $0x1082  }
0x22: {  	[simem:s7], [sflag:s8] =	dma.local @!p0 [hbm:s6], $0xF7A  }
0x23: {  	s9 =	sor.u32 $0xD0000000, s2;
	s6 =	simm.s32 $0x108;
	_ =	swait.ge @!p0 [sflag:s8], $0x0  }
0x24: {  	s3 =	sadd.s32 $0x88, s3;
	s6 =	simm.s32 @!p1 $0x1082;
	[sflag:s4] =	ssyncset.s32 $0xFFFFF086  }
0x25: {  	[simem:s6], [sflag:s4] =	dma.local [hbm:s3], $0xF7A  }
0x26: {  	[smem:$0x3F98] =	sst s1;
	(tag) =	ssettag s2;
	_ =	strace s9  }
0x27: {  	s1 =	sld [smem:$0x3FA8]  }
0x28: {  	s2 =	sld [smem:$0x3FA9]  }
0x29: {  	s4 =	sld [smem:$0x3FAB]  }
0x2a: {  	p0 =	seq.s32 s5, $0x0;
	s5 =	sld [smem:$0x3FAC]  }
0x2b: {  	s6 =	sld [smem:$0x3FAD]  }
0x2c: {  	s7 =	sld [smem:$0x3FAE]  }
0x2d: {  	s3 =	simm.s32 $0x108;
	s8 =	sld [smem:$0x3FAF]  }
0x2e: {  	s3 =	simm.s32 @!p0 $0x1082;
	s9 =	sld [smem:$0x3FB0]  }
0x2f: {  	lr =	sadd.s32 s0, s3;
	s0 =	sld [smem:$0x3FA7]  }
0x30: {  	s3 =	sld [smem:$0x3FAA]  }
0x31: {  	[smem:$0x3FB3] =	sst s10  }
0x32: {  	s10 =	sld [smem:$0x3FB1];
	_ =	sdelay $0x3  }
0x33: {  	p0 =	seq.s32 s10, $0x1;
	s10 =	sld [smem:$0x3FB3];
	_ =	sdelay $0x3  }
0x34: {  	[smem:$0x3FB3] =	sst s10  }
0x35: {  	s10 =	sld [smem:$0x3FB2];
	_ =	sdelay $0x3  }
0x36: {  	p1 =	seq.s32 s10, $0x1;
	s10 =	sld [smem:$0x3FB3];
	_ =	sdelay $0x3  }
0x37: {  	[smem:$0x3FB3] =	sst s10  }
0x38: {  	s10 =	sld [smem:$0x3FB4]  }
0x39: {  	_ = 	snop;
	(pc) =	sbr.ind lr, $3  }
0x3a: {  	_ = 	snop  }
0x3b: {  	_ = 	snop  }
0x3c: {  	p2 =	seq.s32 s10, $0x1;
	s10 =	sld [smem:$0x3FB3]  }
0x3d: {  	_ =	shalt  }
0x3e: {  	_ =	shalt  }
0x3f: {  	_ =	shalt  }
0x40: {  	_ =	shalt  }
0x41: {  	_ =	shalt  }
0x42: {  	_ =	shalt  }
0x43: {  	_ =	shalt  }
0x44: {  	_ =	shalt  }
0x45: {  	_ =	shalt  }
0x46: {  	_ =	shalt  }
0x47: {  	_ =	shalt  }
0x48: {  	_ =	shalt  }
0x49: {  	_ =	shalt  }
0x4a: {  	_ =	shalt  }
0x4b: {  	_ =	shalt  }
0x4c: {  	_ =	shalt  }
0x4d: {  	_ =	shalt  }
0x4e: {  	_ =	shalt  }
0x4f: {  	_ =	shalt  }
0x50: {  	_ =	shalt  }
0x51: {  	_ =	shalt  }
0x52: {  	_ =	shalt  }
0x53: {  	_ =	shalt  }
0x54: {  	_ =	shalt  }
0x55: {  	_ =	shalt  }
0x56: {  	_ =	shalt  }
0x57: {  	_ =	shalt  }
0x58: {  	_ =	shalt  }
0x59: {  	_ =	shalt  }
0x5a: {  	_ =	shalt  }
0x5b: {  	_ =	shalt  }
0x5c: {  	_ =	shalt  }
0x5d: {  	_ =	shalt  }
0x5e: {  	_ =	shalt  }
0x5f: {  	_ =	shalt  }
0x60: {  	_ =	shalt  }
0x61: {  	_ =	shalt  }
0x62: {  	_ =	shalt  }
0x63: {  	_ =	shalt  }
0x64: {  	_ =	shalt  }
0x65: {  	_ =	shalt  }
0x66: {  	_ =	shalt  }
0x67: {  	_ =	shalt  }
0x68: {  	_ =	shalt  }
0x69: {  	_ =	shalt  }
0x6a: {  	_ =	shalt  }
0x6b: {  	_ =	shalt  }
0x6c: {  	_ =	shalt  }
0x6d: {  	_ =	shalt  }
0x6e: {  	_ =	shalt  }
0x6f: {  	_ =	shalt  }
0x70: {  	_ =	shalt  }
0x71: {  	_ =	shalt  }
0x72: {  	_ =	shalt  }
0x73: {  	_ =	shalt  }
0x74: {  	_ =	shalt  }
0x75: {  	_ =	shalt  }
0x76: {  	_ =	shalt  }
0x77: {  	_ =	shalt  }
0x78: {  	_ =	shalt  }
0x79: {  	_ =	shalt  }
0x7a: {  	_ =	shalt  }
0x7b: {  	_ =	shalt  }
0x7c: {  	_ =	shalt  }
0x7d: {  	_ =	shalt  }
0x7e: {  	_ =	shalt  }
0x7f: {  	_ =	shalt  }
0x80: {  	_ =	shalt  }
0x81: {  	_ =	shalt  }
0x82: {  	_ =	shalt  }
0x83: {  	_ =	shalt  }
0x84: {  	_ =	shalt  }
0x85: {  	_ =	shalt  }
0x86: {  	_ =	shalt  }
0x87: {  	_ =	shalt  }
.Lfunc_end0:
.L_simem_size_0:
called_computation.2_lowered:
.L_overlay_start_0:
0x88: {  	s2 =	sld [smem:$0x3FD9]  }
0x89: {  	s3 =	sld [smem:$0x3FFE];
	_ =	sdelay $0x1  }
0x8a: {  	s1 =	srdreg.scid  }
0x8b: {  	s0 =	sand.u32 $0x1, s1  }
0x8c: {  	s16 =	sshll.u32 s0, $0xA;
	s2 =	sadd.s32 s3, s2  }
0x8d: {  	s2 =	sadd.s32 s2, s16  }
0x8e: {  	[smem:$0x3FBF] =	sst s2  }
0x8f: {  	_ = 	snop  }
0x90: {  	(tm) =	ssettm $0x1  }
0x91: {  	s17 =	sld [smem:$0x3FFB];
	_ =	sdelay $0x3  }
0x92: {  	_ =	strace s17  }
0x93: {  	s2 =	sld [smem:$0x3FFC];
	_ =	sdelay $0x3  }
0x94: {  	_ =	strace s2  }
0x95: {  	s2 =	sld [smem:$0x3FFD];
	_ =	sdelay $0x3  }
0x96: {  	_ =	strace s2  }
0x97: {  	_ =	strace $0x8FFFFFFF  }
0x98: {  	s18 =	sld [smem:$0x3FDB];
	_ =	sdelay $0x1  }
0x99: {  	s19 =	simm.s32 $_scs_section_size  }
0x9a: {  	s4 =	simm.s32 $_size__tile_overlayer_lowered;
	s5 =	simm.s32 $_tile_overlayer_lowered  }
0x9b: {  	s22 =	simm.s32 $0x1BFF;
	s21 =	sshll.u32 s5, $0x1;
	s2 =	sadd.s32 s19, s18  }
0x9c: {  	s6 =	simm.s32 $0x0;
	s20 =	sshll.u32 s4, $0x1;
	s4 =	sadd.s32 s21, s2  }
0x9d: {  	[timem:s6], [sflag:s22] =	dma.local [hbm:s4], s20  }
0x9e: {  	_ =	swait.ge [sflag:s22], s20  }
0x9f: {  	s3 =	ssub.s32 $0x0, s20;
	[sflag:s22] =	ssyncset.done $0x0  }
0xa0: {  	[sflag:s22] =	ssyncadd.s32 s3;
	_ =	sdelay $0x1  }
0xa1: {  	s23 =	simm.s32 $0x1B8B  }
0xa2: {  	_ =	swait.ge [sflag:s23], $0x1  }
0xa3: {  	[sflag:s23] =	ssyncset.done $0x0  }
0xa4: {  	s25 =	simm.s32 $0x1B8E;
	s24 =	sld [smem:$0x3FFE];
	[sflag:s23] =	ssyncadd.s32 $0xFFFFFFFF  }
0xa5: {  	s26 =	simm.s32 $execute0_lowered;
	[smem:$0x3FD2] =	sst s25  }
0xa6: {  	s4 =	sshll.u32 s26, $0x1;
	_ =	strace $0x8000004C;
	[dreg:$0x1] =	wrdreg $0xFFFFFFFF  }
0xa7: {  	s28 =	simm.s32 $_size_execute0_lowered;
	s2 =	sadd.s32 s2, s4;
	[dreg:$0x0] =	wrdreg $0x0  }
0xa8: {  	s4 =	sshll.u32 s28, $0x1;
	[dreg:$0x2] =	wrdreg s2  }
0xa9: {  	[dreg:$0x3] =	wrdreg s4  }
0xaa: {  	[dreg:$0x4] =	wrdreg $0xC0  }
0xab: {  	_ =	task [dreg:s6], $0x5FFFF  }
0xac: {  	[dreg:$0x1] =	wrdreg $0xFFFFFFFF  }
0xad: {  	[dreg:$0x0] =	wrdreg $0x60  }
0xae: {  	[dreg:$0x2] =	wrdreg s24  }
0xaf: {  	[dreg:$0x3] =	wrdreg $0x9  }
0xb0: {  	_ =	task.clear_ibuf [dreg:s6], $0x4FFFF;
	_ =	strace $0x9000004C  }
0xb1: {  	s29 =	simm.s32 $0x9;
	_ =	strace $0x8000004E  }
0xb2: {  	_ =	swait.ge [sflag:s29], $0x1  }
0xb3: {  	[sflag:s29] =	ssyncadd.s32 $0xFFFFFFFF  }
0xb4: {  	_ =	strace $0x9000004E  }
0xb5: {  	_ =	sfence  }
0xb6: {  	s30 =	sld [smem:$0x0];
	_ =	sdelay $0x2  }
0xb7: {  	s31 =	sshll.u32 s1, $0xD;
	s1 =	sshrl.u32 s1, $0x2  }
0xb8: {  	s3 =	sand.u32 $0x4000, s31;
	s1 =	sadd.s32 s1, s30  }
0xb9: {  	s0 =	sor.u32 s3, s0;
	s1 =	sshll.u32 s1, $0x11  }
0xba: {  	s0 =	sor.u32 s1, s0  }
0xbb: {  	s0 =	sadd.s32 $0x8F2B, s0  }
0xbc: {  	[sflag:s0] =	ssyncadd.remote.s32 $0x1  }
0xbd: {  	_ =	sfence.sel $0xFFFF  }
0xbe: {  	[dreg:$0x0] =	wrdreg $0xFFFFFFFF;
	(pc) =	sbr.abs _section_cstart, $3  }
0xbf: {  	[dreg:$0x1] =	wrdreg $0xFFFFFFFF  }
0xc0: {  	_ =	task.clear_ibuf [dreg:s6], $0x2FFFF;
	_ =	strace $0x9FFFFFFF  }
0xc1: {  	(tm) =	ssettm $0x7FFFFFFF  }
tec
execute0_lowered:
.L_overlay_start_1:
0x0: {  	(tag) =	ssettag $0x1  }
0x1: {  	s3 =	rddreg [dreg:$0x0]  }
0x2: {  	s0 =	rddreg [dreg:$0x1];
	s4 =	srdreg.scid  }
0x3: {  	s2 =	simm.s32 $0x0;
	s1 =	stileid.u32;
	s4 =	sand.u32 $0x1, s4  }
0x4: {  	[smem:$0x7FF] =	sst s2;
	s5 =	sshll.u32 s1, $0x6;
	s6 =	sshll.u32 s4, $0x5  }
0x5: {  	s8 =	simm.s32 $0x0;
	_ =	strace $0x8000004D;
	s5 =	sor.u32 s6, s5  }
0x6: {  	s4 =	ssub.s32 $0x2, s4;
	s6 =	sshll.u32 s5, $0x6;
	s5 =	sshll.u32 s5, $0x4  }
0x7: {  	s7 =	sshrl.u32 s4, $0x1;
	s6 =	sadd.s32 s6, s3;
	s5 =	sadd.s32 s5, s3  }
0x8: {  	s7 =	ssub.s32 s4, s7;
	s3 =	sadd.s32 $0x3600, s6;
	s4 =	sadd.s32 $0x13600, s5  }
0x9: {  	s5 =	smax.u32 s7, $0x1;
	s6 =	simm.s32 $0x1;
	s7 =	simm.s32 $0x4000  }
.LBB2_1:
0xa: {  	[tilespmem:s2], [sflag:$0x1] =	stream.linear.gather [hbm4b:s3+s2], $0x4000, $0x38;
	[tilespmem:$0x5000] =	vst v63  }
0xb: {  	_ =	swait.ge [sflag:s6], $0x4000  }
0xc: {  	[sflag:s6] =	ssyncset.done $0x0  }
0xd: {  	s9 =	simm.s32 $0x0;
	[sflag:s6] =	ssyncadd.s32 $0xFFFFC000  }
.LBB2_2:
0xe: {  	s10 =	sshll.u32 s9, $0x9;
	s11 =	sshll.u32 s9, $0x7  }
0xf: {  	s12 =	sand.u32 $0x3000, s10;
	s11 =	sand.u32 $0x380, s11  }
0x10: {  	s11 =	sor.u32 s11, s12  }
0x11: {  	v30 =	vld [tilespmem:s11+$0x0]  }
0x12: {  	v32 =	vld [tilespmem:s11+$0x10]  }
0x13: {  	v31 =	vld [tilespmem:s11+$0x20]  }
0x14: {  	v29 =	vld [tilespmem:s11+$0x30]  }
0x15: {  	v28 =	vld [tilespmem:s11+$0x40]  }
0x16: {  	v27 =	vld [tilespmem:s11+$0x50]  }
0x17: {  	v26 =	vld [tilespmem:s11+$0x60]  }
0x18: {  	v25 =	vld [tilespmem:s11+$0x70]  }
0x19: {  	v24 =	vld [tilespmem:s11+$0x400]  }
0x1a: {  	v23 =	vld [tilespmem:s11+$0x410]  }
0x1b: {  	v22 =	vld [tilespmem:s11+$0x420]  }
0x1c: {  	v21 =	vld [tilespmem:s11+$0x430]  }
0x1d: {  	v20 =	vld [tilespmem:s11+$0x440]  }
0x1e: {  	v19 =	vld [tilespmem:s11+$0x450]  }
0x1f: {  	v18 =	vld [tilespmem:s11+$0x460]  }
0x20: {  	v17 =	vld [tilespmem:s11+$0x470]  }
0x21: {  	v16 =	vld [tilespmem:s11+$0x800]  }
0x22: {  	v15 =	vld [tilespmem:s11+$0x810]  }
0x23: {  	v14 =	vld [tilespmem:s11+$0x820]  }
0x24: {  	v13 =	vld [tilespmem:s11+$0x830]  }
0x25: {  	v12 =	vld [tilespmem:s11+$0x840]  }
0x26: {  	v11 =	vld [tilespmem:s11+$0x850]  }
0x27: {  	v10 =	vld [tilespmem:s11+$0x860]  }
0x28: {  	v9 =	vld [tilespmem:s11+$0x870]  }
0x29: {  	v8 =	vld [tilespmem:s11+$0xC00]  }
0x2a: {  	v7 =	vld [tilespmem:s11+$0xC10]  }
0x2b: {  	v6 =	vld [tilespmem:s11+$0xC20]  }
0x2c: {  	v0 =	vimm.f32 $9.999999970e-07;
	v5 =	vld [tilespmem:s11+$0xC30]  }
0x2d: {  	v4 =	vld [tilespmem:s11+$0xC40];
	v34 =	vadd.f32 v30, v0  }
0x2e: {  	v3 =	vld [tilespmem:s11+$0xC50]  }
0x2f: {  	v2 =	vld [tilespmem:s11+$0xC60];
	v33 =	vadd.f32 v32, v0;
	(erf) = vrcp.f32 v34  }
0x30: {  	v1 =	vld [tilespmem:s11+$0xC70];
	s11 =	simm.s32 $0x7  }
.LBB2_3:
0x31: {  	p0 =	sne.s32 s11, $0x1;
	v34 =	vadd.f32 v31, v0;
	(erf) = vrcp.f32 v33;
	_ =	sdelay $0x1  }
0x32: {  	v33 =	vadd.f32 v29, v0;
	(erf) = vrcp.f32 v34;
	_ =	sdelay $0x1  }
0x33: {  	v35 =	vadd.f32 v28, v0;
	(erf) = vrcp.f32 v33;
	_ =	sdelay $0x1  }
0x34: {  	v37 =	vadd.f32 v27, v0;
	(erf) = vrcp.f32 v35  }
0x35: {  	v34 =	vpop (erf)  }
0x36: {  	v38 =	vadd.f32 v26, v0;
	v35 =	vadd.f32 $0.0e+00, v34;
	(erf) = vrcp.f32 v37  }
0x37: {  	v33 =	vpop (erf)  }
0x38: {  	v37 =	vadd.f32 v25, v0;
	v35 =	vadd.f32 v33, v35;
	(erf) = vrcp.f32 v38  }
0x39: {  	v34 =	vmul.f32 v34, v34;
	v33 =	vmul.f32 v33, v33;
	v36 =	vpop (erf)  }
0x3a: {  	v38 =	vadd.f32 v24, v0;
	v35 =	vadd.f32 v36, v35;
	(erf) = vrcp.f32 v37  }
0x3b: {  	v33 =	vadd.f32 v33, v34;
	v34 =	vmul.f32 v36, v36;
	v36 =	vpop (erf)  }
0x3c: {  	v37 =	vadd.f32 v23, v0;
	v35 =	vadd.f32 v36, v35;
	(erf) = vrcp.f32 v38  }
0x3d: {  	v33 =	vadd.f32 v34, v33;
	v34 =	vmul.f32 v36, v36;
	v36 =	vpop (erf)  }
0x3e: {  	v38 =	vadd.f32 v22, v0;
	v35 =	vadd.f32 v36, v35;
	(erf) = vrcp.f32 v37  }
0x3f: {  	v33 =	vadd.f32 v34, v33;
	v34 =	vmul.f32 v36, v36;
	v36 =	vpop (erf)  }
0x40: {  	v37 =	vadd.f32 v21, v0;
	v35 =	vadd.f32 v36, v35;
	(erf) = vrcp.f32 v38  }
0x41: {  	v33 =	vadd.f32 v34, v33;
	v34 =	vmul.f32 v36, v36;
	v36 =	vpop (erf)  }
0x42: {  	v38 =	vadd.f32 v20, v0;
	v35 =	vadd.f32 v36, v35;
	(erf) = vrcp.f32 v37  }
0x43: {  	v33 =	vadd.f32 v34, v33;
	v34 =	vmul.f32 v36, v36;
	v36 =	vpop (erf)  }
0x44: {  	v37 =	vadd.f32 v19, v0;
	v35 =	vadd.f32 v36, v35;
	(erf) = vrcp.f32 v38  }
0x45: {  	v33 =	vadd.f32 v34, v33;
	v34 =	vmul.f32 v36, v36;
	v36 =	vpop (erf)  }
0x46: {  	v38 =	vadd.f32 v18, v0;
	v35 =	vadd.f32 v36, v35;
	(erf) = vrcp.f32 v37  }
0x47: {  	v33 =	vadd.f32 v34, v33;
	v34 =	vmul.f32 v36, v36;
	v36 =	vpop (erf)  }
0x48: {  	v37 =	vadd.f32 v17, v0;
	v35 =	vadd.f32 v36, v35;
	(erf) = vrcp.f32 v38  }
0x49: {  	v33 =	vadd.f32 v34, v33;
	v34 =	vmul.f32 v36, v36;
	v36 =	vpop (erf)  }
0x4a: {  	v38 =	vadd.f32 v16, v0;
	v35 =	vadd.f32 v36, v35;
	(erf) = vrcp.f32 v37  }
0x4b: {  	v33 =	vadd.f32 v34, v33;
	v34 =	vmul.f32 v36, v36;
	v36 =	vpop (erf)  }
0x4c: {  	v37 =	vadd.f32 v15, v0;
	v35 =	vadd.f32 v36, v35;
	(erf) = vrcp.f32 v38  }
0x4d: {  	v33 =	vadd.f32 v34, v33;
	v34 =	vmul.f32 v36, v36;
	v36 =	vpop (erf)  }
0x4e: {  	v38 =	vadd.f32 v14, v0;
	v35 =	vadd.f32 v36, v35;
	(erf) = vrcp.f32 v37  }
0x4f: {  	v33 =	vadd.f32 v34, v33;
	v34 =	vmul.f32 v36, v36;
	v36 =	vpop (erf)  }
0x50: {  	v37 =	vadd.f32 v13, v0;
	v35 =	vadd.f32 v36, v35;
	(erf) = vrcp.f32 v38  }
0x51: {  	v33 =	vadd.f32 v34, v33;
	v34 =	vmul.f32 v36, v36;
	v36 =	vpop (erf)  }
0x52: {  	v38 =	vadd.f32 v12, v0;
	v35 =	vadd.f32 v36, v35;
	(erf) = vrcp.f32 v37  }
0x53: {  	v33 =	vadd.f32 v34, v33;
	v34 =	vmul.f32 v36, v36;
	v36 =	vpop (erf)  }
0x54: {  	v37 =	vadd.f32 v11, v0;
	v35 =	vadd.f32 v36, v35;
	(erf) = vrcp.f32 v38  }
0x55: {  	v33 =	vadd.f32 v34, v33;
	v34 =	vmul.f32 v36, v36;
	v36 =	vpop (erf)  }
0x56: {  	v38 =	vadd.f32 v10, v0;
	v35 =	vadd.f32 v36, v35;
	(erf) = vrcp.f32 v37  }
0x57: {  	v33 =	vadd.f32 v34, v33;
	v34 =	vmul.f32 v36, v36;
	v36 =	vpop (erf)  }
0x58: {  	v37 =	vadd.f32 v9, v0;
	v35 =	vadd.f32 v36, v35;
	(erf) = vrcp.f32 v38  }
0x59: {  	v33 =	vadd.f32 v34, v33;
	v34 =	vmul.f32 v36, v36;
	v36 =	vpop (erf)  }
0x5a: {  	v38 =	vadd.f32 v8, v0;
	v35 =	vadd.f32 v36, v35;
	(erf) = vrcp.f32 v37  }
0x5b: {  	v33 =	vadd.f32 v34, v33;
	v34 =	vmul.f32 v36, v36;
	v36 =	vpop (erf)  }
0x5c: {  	v37 =	vadd.f32 v7, v0;
	v35 =	vadd.f32 v36, v35;
	(erf) = vrcp.f32 v38  }
0x5d: {  	v33 =	vadd.f32 v34, v33;
	v34 =	vmul.f32 v36, v36;
	v36 =	vpop (erf)  }
0x5e: {  	v38 =	vadd.f32 v6, v0;
	v35 =	vadd.f32 v36, v35;
	(erf) = vrcp.f32 v37  }
0x5f: {  	v33 =	vadd.f32 v34, v33;
	v34 =	vmul.f32 v36, v36;
	v36 =	vpop (erf)  }
0x60: {  	v37 =	vadd.f32 v5, v0;
	v35 =	vadd.f32 v36, v35;
	(erf) = vrcp.f32 v38  }
0x61: {  	v33 =	vadd.f32 v34, v33;
	v34 =	vmul.f32 v36, v36;
	v36 =	vpop (erf)  }
0x62: {  	v38 =	vadd.f32 v4, v0;
	v35 =	vadd.f32 v36, v35;
	(erf) = vrcp.f32 v37  }
0x63: {  	v33 =	vadd.f32 v34, v33;
	v34 =	vmul.f32 v36, v36;
	v36 =	vpop (erf)  }
0x64: {  	v37 =	vadd.f32 v3, v0;
	v35 =	vadd.f32 v36, v35;
	(erf) = vrcp.f32 v38  }
0x65: {  	v33 =	vadd.f32 v34, v33;
	v34 =	vmul.f32 v36, v36;
	v36 =	vpop (erf)  }
0x66: {  	v38 =	vadd.f32 v2, v0;
	v35 =	vadd.f32 v36, v35;
	(erf) = vrcp.f32 v37  }
0x67: {  	v33 =	vadd.f32 v34, v33;
	v34 =	vmul.f32 v36, v36;
	v36 =	vpop (erf)  }
0x68: {  	v37 =	vadd.f32 v1, v0;
	v35 =	vadd.f32 v36, v35;
	(erf) = vrcp.f32 v38  }
0x69: {  	v33 =	vadd.f32 v34, v33;
	v34 =	vmul.f32 v36, v36;
	v36 =	vpop (erf)  }
0x6a: {  	v35 =	vadd.f32 v36, v35;
	(erf) = vrcp.f32 v37  }
0x6b: {  	v33 =	vadd.f32 v34, v33;
	v34 =	vmul.f32 v36, v36;
	v36 =	vpop (erf)  }
0x6c: {  	v35 =	vadd.f32 v36, v35  }
0x6d: {  	v33 =	vadd.f32 v34, v33;
	v34 =	vmul.f32 v36, v36;
	v36 =	vpop (erf)  }
0x6e: {  	v35 =	vadd.f32 v36, v35  }
0x6f: {  	v33 =	vadd.f32 v34, v33;
	v34 =	vmul.f32 v36, v36;
	v36 =	vpop (erf)  }
0x70: {  	v35 =	vadd.f32 v36, v35  }
0x71: {  	v33 =	vadd.f32 v34, v33;
	v34 =	vmul.f32 v36, v36;
	v36 =	vpop (erf)  }
0x72: {  	v35 =	vadd.f32 v36, v35  }
0x73: {  	v33 =	vadd.f32 v34, v33;
	v34 =	vmul.f32 v36, v36;
	v36 =	vpop (erf)  }
0x74: {  	v35 =	vadd.f32 v36, v35  }
0x75: {  	v33 =	vadd.f32 v34, v33;
	v34 =	vmul.f32 v36, v36  }
0x76: {  	(xrf2) =	vadd.scan.msk.f32 $0xffff, v35  }
0x77: {  	v33 =	vadd.f32 v34, v33;
	_ =	sdelay $0x1  }
0x78: {  	(xrf2) =	vadd.scan.msk.f32 $0xffff, v33;
	_ =	sdelay $0x6  }
0x79: {  	v33, _, _ =	vpop (xrf2);
	_ =	sdelay $0x2  }
0x7a: {  	v34, _, _ =	vpop (xrf2)  }
0x7b: {  	v34 =	vbroadcast v34, $0xF;
	_ =	sdelay $0x1  }
0x7c: {  	v33 =	vbroadcast v33, $0xF;
	v34 =	vmul.f32 v34, v0;
	_ =	sdelay $0x1  }
0x7d: {  	v34 =	vsub.f32 v33, v34;
	_ =	sdelay $0x1  }
0x7e: {  	(erf) = vrcp.f32 v34;
	_ =	sdelay $0x5  }
0x7f: {  	v33 =	vmul.f32 v33, v0;
	_ =	sdelay $0x1  }
0x80: {  	v33 =	vadd.f32 $-1.000000000e+02, v33  }
0x81: {  	v34 =	vpop (erf)  }
0x82: {  	v33 =	vmul.f32 v34, v33;
	_ =	sdelay $0x1  }
0x83: {  	v0 =	vsub.f32 v0, v33;
	_ =	sdelay $0x1  }
.Ltmp0:
0x84: {  	v0 =	vand.u32 $0x7FFFFFFF, v0;
	(pc) =	sbr.rel @p0 .LBB2_3-.Ltmp0, $3  }
0x85: {  	v34 =	vadd.f32 v30, v0;
	_ =	sdelay $0x1  }
0x86: {  	v33 =	vadd.f32 v32, v0;
	(erf) = vrcp.f32 v34  }
0x87: {  	s11 =	sadd.s32 $0xFFFFFFFF, s11  }
0x88: {  	v30 =	vadd.f32 v31, v0;
	(erf) = vrcp.f32 v33;
	_ =	sdelay $0x1  }
0x89: {  	v29 =	vadd.f32 v29, v0;
	(erf) = vrcp.f32 v30;
	_ =	sdelay $0x1  }
0x8a: {  	v28 =	vadd.f32 v28, v0;
	(erf) = vrcp.f32 v29;
	_ =	sdelay $0x1  }
0x8b: {  	v27 =	vadd.f32 v27, v0;
	(erf) = vrcp.f32 v28;
	_ =	sdelay $0x1  }
0x8c: {  	v26 =	vadd.f32 v26, v0;
	v35 =	vpop (erf);
	(erf) = vrcp.f32 v27  }
0x8d: {  	v36 =	vadd.f32 $0.0e+00, v35;
	v38 =	vmul.f32 v35, v35;
	v37 =	vpop (erf)  }
0x8e: {  	v25 =	vadd.f32 v25, v0;
	(erf) = vrcp.f32 v26;
	v39 =	vmul.f32 v37, v37  }
0x8f: {  	v24 =	vadd.f32 v24, v0;
	v27 =	vadd.f32 v37, v36;
	v40 =	vpop (erf)  }
0x90: {  	(erf) = vrcp.f32 v25;
	v41 =	vadd.f32 v39, v38;
	v42 =	vmul.f32 v40, v40  }
0x91: {  	v23 =	vadd.f32 v23, v0;
	v27 =	vadd.f32 v40, v27;
	v43 =	vpop (erf)  }
0x92: {  	(erf) = vrcp.f32 v24;
	v45 =	vmul.f32 v43, v43;
	v44 =	vadd.f32 v42, v41  }
0x93: {  	v22 =	vadd.f32 v22, v0;
	v47 =	vpop (erf);
	v46 =	vadd.f32 v43, v27  }
0x94: {  	(erf) = vrcp.f32 v23;
	v49 =	vmul.f32 v47, v47;
	v48 =	vadd.f32 v45, v44  }
0x95: {  	v21 =	vadd.f32 v21, v0;
	v50 =	vadd.f32 v47, v46;
	v51 =	vpop (erf)  }
0x96: {  	(erf) = vrcp.f32 v22;
	v53 =	vmul.f32 v51, v51;
	v52 =	vadd.f32 v49, v48  }
0x97: {  	v20 =	vadd.f32 v20, v0;
	v54 =	vadd.f32 v51, v50;
	v55 =	vpop (erf)  }
0x98: {  	(erf) = vrcp.f32 v21;
	v57 =	vmul.f32 v55, v55;
	v56 =	vadd.f32 v53, v52  }
0x99: {  	v19 =	vadd.f32 v19, v0;
	v58 =	vadd.f32 v55, v54;
	v59 =	vpop (erf)  }
0x9a: {  	(erf) = vrcp.f32 v20;
	v61 =	vmul.f32 v59, v59;
	v60 =	vadd.f32 v57, v56  }
0x9b: {  	v18 =	vadd.f32 v18, v0;
	v63 =	vpop (erf);
	v62 =	vadd.f32 v59, v58  }
0x9c: {  	(erf) = vrcp.f32 v19;
	v25 =	vmul.f32 v63, v63;
	v24 =	vadd.f32 v61, v60  }
0x9d: {  	v17 =	vadd.f32 v17, v0;
	v27 =	vpop (erf);
	v26 =	vadd.f32 v63, v62  }
0x9e: {  	(erf) = vrcp.f32 v18;
	v29 =	vmul.f32 v27, v27;
	v28 =	vadd.f32 v25, v24  }
0x9f: {  	v16 =	vadd.f32 v16, v0;
	v31 =	vpop (erf);
	v30 =	vadd.f32 v27, v26  }
0xa0: {  	(erf) = vrcp.f32 v17;
	v33 =	vmul.f32 v31, v31;
	v32 =	vadd.f32 v29, v28  }
0xa1: {  	v15 =	vadd.f32 v15, v0;
	v35 =	vpop (erf);
	v34 =	vadd.f32 v31, v30  }
0xa2: {  	(erf) = vrcp.f32 v16;
	v37 =	vmul.f32 v35, v35;
	v36 =	vadd.f32 v33, v32  }
0xa3: {  	v14 =	vadd.f32 v14, v0;
	v39 =	vpop (erf);
	v38 =	vadd.f32 v35, v34  }
0xa4: {  	(erf) = vrcp.f32 v15;
	v41 =	vmul.f32 v39, v39;
	v40 =	vadd.f32 v37, v36  }
0xa5: {  	v13 =	vadd.f32 v13, v0;
	v43 =	vpop (erf);
	v42 =	vadd.f32 v39, v38  }
0xa6: {  	(erf) = vrcp.f32 v14;
	v45 =	vmul.f32 v43, v43;
	v44 =	vadd.f32 v41, v40  }
0xa7: {  	v12 =	vadd.f32 v12, v0;
	v47 =	vpop (erf);
	v46 =	vadd.f32 v43, v42  }
0xa8: {  	(erf) = vrcp.f32 v13;
	v49 =	vmul.f32 v47, v47;
	v48 =	vadd.f32 v45, v44  }
0xa9: {  	v11 =	vadd.f32 v11, v0;
	v51 =	vpop (erf);
	v50 =	vadd.f32 v47, v46  }
0xaa: {  	(erf) = vrcp.f32 v12;
	v53 =	vmul.f32 v51, v51;
	v52 =	vadd.f32 v49, v48  }
0xab: {  	v10 =	vadd.f32 v10, v0;
	v55 =	vpop (erf);
	v54 =	vadd.f32 v51, v50  }
0xac: {  	(erf) = vrcp.f32 v11;
	v57 =	vmul.f32 v55, v55;
	v56 =	vadd.f32 v53, v52  }
0xad: {  	v9 =	vadd.f32 v9, v0;
	v59 =	vpop (erf);
	v58 =	vadd.f32 v55, v54  }
0xae: {  	(erf) = vrcp.f32 v10;
	v61 =	vmul.f32 v59, v59;
	v60 =	vadd.f32 v57, v56  }
0xaf: {  	v8 =	vadd.f32 v8, v0;
	v63 =	vpop (erf);
	v62 =	vadd.f32 v59, v58  }
0xb0: {  	(erf) = vrcp.f32 v9;
	v17 =	vmul.f32 v63, v63;
	v16 =	vadd.f32 v61, v60  }
0xb1: {  	v7 =	vadd.f32 v7, v0;
	v19 =	vpop (erf);
	v18 =	vadd.f32 v63, v62  }
0xb2: {  	(erf) = vrcp.f32 v8;
	v21 =	vmul.f32 v19, v19;
	v20 =	vadd.f32 v17, v16  }
0xb3: {  	v6 =	vadd.f32 v6, v0;
	v23 =	vpop (erf);
	v22 =	vadd.f32 v19, v18  }
0xb4: {  	(erf) = vrcp.f32 v7;
	v25 =	vmul.f32 v23, v23;
	v24 =	vadd.f32 v21, v20  }
0xb5: {  	v5 =	vadd.f32 v5, v0;
	v27 =	vpop (erf);
	v26 =	vadd.f32 v23, v22  }
0xb6: {  	(erf) = vrcp.f32 v6;
	v29 =	vmul.f32 v27, v27;
	v28 =	vadd.f32 v25, v24  }
0xb7: {  	v4 =	vadd.f32 v4, v0;
	v31 =	vpop (erf);
	v30 =	vadd.f32 v27, v26  }
0xb8: {  	(erf) = vrcp.f32 v5;
	v33 =	vmul.f32 v31, v31;
	v32 =	vadd.f32 v29, v28  }
0xb9: {  	v3 =	vadd.f32 v3, v0;
	v35 =	vpop (erf);
	v34 =	vadd.f32 v31, v30  }
0xba: {  	(erf) = vrcp.f32 v4;
	v37 =	vmul.f32 v35, v35;
	v36 =	vadd.f32 v33, v32  }
0xbb: {  	v2 =	vadd.f32 v2, v0;
	v39 =	vpop (erf);
	v38 =	vadd.f32 v35, v34  }
0xbc: {  	(erf) = vrcp.f32 v3;
	v41 =	vmul.f32 v39, v39;
	v40 =	vadd.f32 v37, v36  }
0xbd: {  	v1 =	vadd.f32 v1, v0;
	v43 =	vpop (erf);
	v42 =	vadd.f32 v39, v38  }
0xbe: {  	(erf) = vrcp.f32 v2;
	v45 =	vmul.f32 v43, v43;
	v44 =	vadd.f32 v41, v40  }
0xbf: {  	v47 =	vpop (erf);
	v46 =	vadd.f32 v43, v42  }
0xc0: {  	(erf) = vrcp.f32 v1;
	v49 =	vmul.f32 v47, v47;
	v48 =	vadd.f32 v45, v44  }
0xc1: {  	v51 =	vpop (erf);
	v50 =	vadd.f32 v47, v46  }
0xc2: {  	v52 =	vmul.f32 v51, v51;
	v1 =	vadd.f32 v49, v48  }
0xc3: {  	v53 =	vpop (erf);
	v3 =	vadd.f32 v51, v50  }
0xc4: {  	v54 =	vmul.f32 v53, v53;
	v1 =	vadd.f32 v52, v1  }
0xc5: {  	v55 =	vpop (erf);
	v3 =	vadd.f32 v53, v3  }
0xc6: {  	v56 =	vmul.f32 v55, v55;
	v1 =	vadd.f32 v54, v1  }
0xc7: {  	v57 =	vpop (erf);
	v3 =	vadd.f32 v55, v3  }
0xc8: {  	v58 =	vmul.f32 v57, v57;
	v1 =	vadd.f32 v56, v1  }
0xc9: {  	v59 =	vpop (erf);
	v3 =	vadd.f32 v57, v3  }
0xca: {  	v60 =	vmul.f32 v59, v59;
	v1 =	vadd.f32 v58, v1  }
0xcb: {  	v3 =	vadd.f32 v59, v3  }
0xcc: {  	v1 =	vadd.f32 v60, v1  }
0xcd: {  	(xrf2) =	vadd.scan.msk.f32 $0xffff, v3  }
0xce: {  	(xrf2) =	vadd.scan.msk.f32 $0xffff, v1;
	_ =	sdelay $0x8  }
0xcf: {  	v61, _, _ =	vpop (xrf2)  }
0xd0: {  	v62, _, _ =	vpop (xrf2)  }
0xd1: {  	v2 =	vbroadcast v62, $0xF;
	_ =	sdelay $0x1  }
0xd2: {  	v1 =	vbroadcast v61, $0xF;
	v2 =	vmul.f32 v2, v0;
	_ =	sdelay $0x1  }
0xd3: {  	v2 =	vsub.f32 v1, v2;
	_ =	sdelay $0x1  }
0xd4: {  	(erf) = vrcp.f32 v2;
	_ =	sdelay $0x5  }
0xd5: {  	v1 =	vmul.f32 v1, v0;
	_ =	sdelay $0x1  }
0xd6: {  	v1 =	vadd.f32 $-1.000000000e+02, v1  }
0xd7: {  	s9 =	sadd.s32 $0x1, s9;
	v2 =	vpop (erf)  }
0xd8: {  	p0 =	sne.s32 s9, $0x20;
	v1 =	vmul.f32 v2, v1  }
.Ltmp1:
0xd9: {  	_ = 	snop;
	(pc) =	sbr.rel @p0 .LBB2_2-.Ltmp1, $3  }
0xda: {  	v63 =	vsub.f32 v0, v1;
	_ =	sdelay $0x1  }
0xdb: {  	s10 =	sshrl.u32 s10, $0x2;
	v0 =	vand.u32 $0x7FFFFFFF, v63  }
0xdc: {  	[tilespmem:s10+$0x4000] =	vst v0  }
0xdd: {  	s8 =	sadd.s32 $0x1, s8  }
0xde: {  	p0 =	sne.s32 s8, s5  }
.Ltmp2:
0xdf: {  	_ = 	snop;
	(pc) =	sbr.rel @p0 .LBB2_1-.Ltmp2, $4  }
0xe0: {  	[hbm4b:s4+s2] =	stream.linear.scatter [tilespmem:s7], [sflag:$0x1], $0x1000, $0x38;
	[tilespmem:$0x5000] =	vst v63  }
0xe1: {  	_ =	swait.ge [sflag:s6], $0x1000  }
0xe2: {  	[sflag:s6] =	ssyncset.done $0x0  }
0xe3: {  	[sflag:s6] =	ssyncadd.s32 $0xFFFFF000  }
0xe4: {  	_ =	sfence.sel $0x180000  }
0xe5: {  	[bflag:$0x0] =	sbarrier.arrive $0xFFFF  }
0xe6: {  	p0 =	sne.s32 s1, $0x0;
	_ =	strace $0x9000004D  }
0xe7: {  	s0 =	sadd.s32 @!p0 $0x100000, s0;
	[bflag:$0x2] =	sbarrier.arrive $0xFFFF  }
0xe8: {  	[sflag:s0] =	ssyncadd.tile.s32 @!p0 $0x1;
	_ =	shalt  }
.Lfunc_end2:
_tile_overlayer_lowered:
.L_overlay_start_2:
0xe9: {  	(tag) =	ssettag $0x2  }
0xea: {  	s0 =	rddreg [dreg:$0x0];
	s2 =	stileid.u32  }
0xeb: {  	s1 =	rddreg [dreg:$0x1];
	p0 =	sne.s32 s2, $0x0  }
0xec: {  	s3 =	rddreg [dreg:$0x2];
	[bflag:$0x3] =	sbarrier.arrive $0xFFFF;
	s2 =	simm.s32 @!p0 $0x1C01  }
0xed: {  	[timem:s3], [sflag:s2] =	dma.local @!p0 [hbm:s0], s1  }
0xee: {  	s0 =	simm.s32 @!p0 $0x1  }
0xef: {  	_ =	swait.ge @!p0 [sflag:s0], s1  }
0xf0: {  	s1 =	ssub.s32 @!p0 $0x0, s1;
	[sflag:s0] =	ssyncset.done @!p0 $0x0  }
0xf1: {  	[sflag:s0] =	ssyncadd.s32 @!p0 s1  }
0xf2: {  	[bflag:$0x3] =	sbarrier.arrive $0xFFFF  }
0xf3: {  	_ =	shalt  }

// kernel: kernel.9.cloned.1.call-start
scs
__scs_entry_jumppad:
0x0: {  	(pc) =	sbr.rel $0x88, $3  }
0x1: {  	(tag) =	ssettag $0x0;
	lr =	simm.s32 $0x1  }
0x2: {  	[smem:$0x3F98] =	sst lr;
	_ =	strace $0xD0000000  }
0x3: {  	_ = 	snop  }
0x4: {  	_ = 	snop  }
0x5: {  	_ = 	snop  }
0x6: {  	_ = 	snop  }
0x7: {  	_ = 	snop  }
__scs_overlays_trampoline_lowered:
0x8: {  	[smem:$0x3FA7] =	sst s0  }
0x9: {  	[smem:$0x3FA8] =	sst s1  }
0xa: {  	[smem:$0x3FA9] =	sst s2  }
0xb: {  	[smem:$0x3FAA] =	sst s3  }
0xc: {  	[smem:$0x3FAB] =	sst s4  }
0xd: {  	[smem:$0x3FAC] =	sst s5  }
0xe: {  	[smem:$0x3FAD] =	sst s6  }
0xf: {  	[smem:$0x3FAE] =	sst s7  }
0x10: {  	[smem:$0x3FAF] =	sst s8  }
0x11: {  	[smem:$0x3FB0] =	sst s9;
	s0 =	simm.s32 @!p0 $0x0  }
0x12: {  	s1 =	sld [smem:$0x3F96];
	s0 =	simm.s32 @p0 $0x1  }
0x13: {  	[smem:$0x3FB1] =	sst s0;
	s0 =	simm.s32 @!p1 $0x0  }
0x14: {  	s2 =	sld [smem:$0x3F95];
	s0 =	simm.s32 @p1 $0x1  }
0x15: {  	[smem:$0x3FB2] =	sst s0;
	s0 =	simm.s32 @!p2 $0x0  }
0x16: {  	s3 =	sld [smem:$0x3FDB];
	s0 =	simm.s32 @p2 $0x1  }
0x17: {  	s4 =	simm.s32 $0x1BF5;
	[smem:$0x3FB4] =	sst s0  }
0x18: {  	s0 =	sld [smem:$0x3F97];
	_ =	swait.ge [sflag:s4], $0x0  }
0x19: {  	s7 =	sld [smem:$0x3F98]  }
0x1a: {  	s8 =	sadd.s32 $0xFFFFE003, lr  }
0x1b: {  	s9 =	sadd.s32 $0xFFFFFEF7, lr;
	s5 =	simm.s32 $0xFFFFFFFF;
	p2 =	slt.u32 s8, $0xFFFFF086  }
0x1c: {  	p1 =	slt.u32 s9, $0xF7A;
	s5 =	simm.s32 @!p2 $0x0  }
0x1d: {  	s5 =	simm.s32 @p1 $0x1;
	p0 =	seq.s32 s7, s2  }
0x1e: {  	s7 =	smul.u32 @!p0 $0xF7A, s2;
	p2 =	seq.s32 @!p0 s5, $0x0  }
0x1f: {  	s9 =	smul.u32 $0xF7A, s1;
	s8 =	simm.s32 @!p0 $0x1BF5;
	p2 =	por !p2, p0  }
0x20: {  	[sflag:s8] =	ssyncset.s32 @!p0 $0xFFFFF086;
	s6 =	sadd.s32 @!p0 s3, s7;
	s7 =	simm.s32 @!p0 $0x108  }
0x21: {  	s3 =	sadd.s32 s3, s9;
	s6 =	sadd.s32 @!p0 $0x88, s6;
	s7 =	simm.s32 @p2 $0x1082  }
0x22: {  	[simem:s7], [sflag:s8] =	dma.local @!p0 [hbm:s6], $0xF7A  }
0x23: {  	s9 =	sor.u32 $0xD0000000, s2;
	s6 =	simm.s32 $0x108;
	_ =	swait.ge @!p0 [sflag:s8], $0x0  }
0x24: {  	s3 =	sadd.s32 $0x88, s3;
	s6 =	simm.s32 @!p1 $0x1082;
	[sflag:s4] =	ssyncset.s32 $0xFFFFF086  }
0x25: {  	[simem:s6], [sflag:s4] =	dma.local [hbm:s3], $0xF7A  }
0x26: {  	[smem:$0x3F98] =	sst s1;
	(tag) =	ssettag s2;
	_ =	strace s9  }
0x27: {  	s1 =	sld [smem:$0x3FA8]  }
0x28: {  	s2 =	sld [smem:$0x3FA9]  }
0x29: {  	s4 =	sld [smem:$0x3FAB]  }
0x2a: {  	p0 =	seq.s32 s5, $0x0;
	s5 =	sld [smem:$0x3FAC]  }
0x2b: {  	s6 =	sld [smem:$0x3FAD]  }
0x2c: {  	s7 =	sld [smem:$0x3FAE]  }
0x2d: {  	s3 =	simm.s32 $0x108;
	s8 =	sld [smem:$0x3FAF]  }
0x2e: {  	s3 =	simm.s32 @!p0 $0x1082;
	s9 =	sld [smem:$0x3FB0]  }
0x2f: {  	lr =	sadd.s32 s0, s3;
	s0 =	sld [smem:$0x3FA7]  }
0x30: {  	s3 =	sld [smem:$0x3FAA]  }
0x31: {  	[smem:$0x3FB3] =	sst s10  }
0x32: {  	s10 =	sld [smem:$0x3FB1];
	_ =	sdelay $0x3  }
0x33: {  	p0 =	seq.s32 s10, $0x1;
	s10 =	sld [smem:$0x3FB3];
	_ =	sdelay $0x3  }
0x34: {  	[smem:$0x3FB3] =	sst s10  }
0x35: {  	s10 =	sld [smem:$0x3FB2];
	_ =	sdelay $0x3  }
0x36: {  	p1 =	seq.s32 s10, $0x1;
	s10 =	sld [smem:$0x3FB3];
	_ =	sdelay $0x3  }
0x37: {  	[smem:$0x3FB3] =	sst s10  }
0x38: {  	s10 =	sld [smem:$0x3FB4]  }
0x39: {  	_ = 	snop;
	(pc) =	sbr.ind lr, $3  }
0x3a: {  	_ = 	snop  }
0x3b: {  	_ = 	snop  }
0x3c: {  	p2 =	seq.s32 s10, $0x1;
	s10 =	sld [smem:$0x3FB3]  }
0x3d: {  	_ =	shalt  }
0x3e: {  	_ =	shalt  }
0x3f: {  	_ =	shalt  }
0x40: {  	_ =	shalt  }
0x41: {  	_ =	shalt  }
0x42: {  	_ =	shalt  }
0x43: {  	_ =	shalt  }
0x44: {  	_ =	shalt  }
0x45: {  	_ =	shalt  }
0x46: {  	_ =	shalt  }
0x47: {  	_ =	shalt  }
0x48: {  	_ =	shalt  }
0x49: {  	_ =	shalt  }
0x4a: {  	_ =	shalt  }
0x4b: {  	_ =	shalt  }
0x4c: {  	_ =	shalt  }
0x4d: {  	_ =	shalt  }
0x4e: {  	_ =	shalt  }
0x4f: {  	_ =	shalt  }
0x50: {  	_ =	shalt  }
0x51: {  	_ =	shalt  }
0x52: {  	_ =	shalt  }
0x53: {  	_ =	shalt  }
0x54: {  	_ =	shalt  }
0x55: {  	_ =	shalt  }
0x56: {  	_ =	shalt  }
0x57: {  	_ =	shalt  }
0x58: {  	_ =	shalt  }
0x59: {  	_ =	shalt  }
0x5a: {  	_ =	shalt  }
0x5b: {  	_ =	shalt  }
0x5c: {  	_ =	shalt  }
0x5d: {  	_ =	shalt  }
0x5e: {  	_ =	shalt  }
0x5f: {  	_ =	shalt  }
0x60: {  	_ =	shalt  }
0x61: {  	_ =	shalt  }
0x62: {  	_ =	shalt  }
0x63: {  	_ =	shalt  }
0x64: {  	_ =	shalt  }
0x65: {  	_ =	shalt  }
0x66: {  	_ =	shalt  }
0x67: {  	_ =	shalt  }
0x68: {  	_ =	shalt  }
0x69: {  	_ =	shalt  }
0x6a: {  	_ =	shalt  }
0x6b: {  	_ =	shalt  }
0x6c: {  	_ =	shalt  }
0x6d: {  	_ =	shalt  }
0x6e: {  	_ =	shalt  }
0x6f: {  	_ =	shalt  }
0x70: {  	_ =	shalt  }
0x71: {  	_ =	shalt  }
0x72: {  	_ =	shalt  }
0x73: {  	_ =	shalt  }
0x74: {  	_ =	shalt  }
0x75: {  	_ =	shalt  }
0x76: {  	_ =	shalt  }
0x77: {  	_ =	shalt  }
0x78: {  	_ =	shalt  }
0x79: {  	_ =	shalt  }
0x7a: {  	_ =	shalt  }
0x7b: {  	_ =	shalt  }
0x7c: {  	_ =	shalt  }
0x7d: {  	_ =	shalt  }
0x7e: {  	_ =	shalt  }
0x7f: {  	_ =	shalt  }
0x80: {  	_ =	shalt  }
0x81: {  	_ =	shalt  }
0x82: {  	_ =	shalt  }
0x83: {  	_ =	shalt  }
0x84: {  	_ =	shalt  }
0x85: {  	_ =	shalt  }
0x86: {  	_ =	shalt  }
0x87: {  	_ =	shalt  }
.Lfunc_end0:
.L_simem_size_0:
called_computation_lowered:
.L_overlay_start_0:
0x88: {  	s2 =	sld [smem:$0x3FD9]  }
0x89: {  	s3 =	sld [smem:$0x3FFE];
	_ =	sdelay $0x1  }
0x8a: {  	s1 =	srdreg.scid  }
0x8b: {  	s0 =	sand.u32 $0x1, s1  }
0x8c: {  	s16 =	sshll.u32 s0, $0xA;
	s2 =	sadd.s32 s3, s2  }
0x8d: {  	s2 =	sadd.s32 s2, s16  }
0x8e: {  	[smem:$0x3FBF] =	sst s2  }
0x8f: {  	_ = 	snop  }
0x90: {  	(tm) =	ssettm $0x1  }
0x91: {  	s17 =	sld [smem:$0x3FFB];
	_ =	sdelay $0x3  }
0x92: {  	_ =	strace s17  }
0x93: {  	s2 =	sld [smem:$0x3FFC];
	_ =	sdelay $0x3  }
0x94: {  	_ =	strace s2  }
0x95: {  	s2 =	sld [smem:$0x3FFD];
	_ =	sdelay $0x3  }
0x96: {  	_ =	strace s2  }
0x97: {  	_ =	strace $0x8FFFFFFF  }
0x98: {  	s18 =	sld [smem:$0x3FDB];
	_ =	sdelay $0x1  }
0x99: {  	s19 =	simm.s32 $_scs_section_size  }
0x9a: {  	s4 =	simm.s32 $_size__tile_overlayer_lowered;
	s5 =	simm.s32 $_tile_overlayer_lowered  }
0x9b: {  	s22 =	simm.s32 $0x1BFF;
	s21 =	sshll.u32 s5, $0x1;
	s2 =	sadd.s32 s19, s18  }
0x9c: {  	s6 =	simm.s32 $0x0;
	s20 =	sshll.u32 s4, $0x1;
	s4 =	sadd.s32 s21, s2  }
0x9d: {  	[timem:s6], [sflag:s22] =	dma.local [hbm:s4], s20  }
0x9e: {  	_ =	swait.ge [sflag:s22], s20  }
0x9f: {  	s3 =	ssub.s32 $0x0, s20;
	[sflag:s22] =	ssyncset.done $0x0  }
0xa0: {  	[sflag:s22] =	ssyncadd.s32 s3;
	_ =	sdelay $0x1  }
0xa1: {  	s23 =	simm.s32 $0x1B8B  }
0xa2: {  	_ =	swait.ge [sflag:s23], $0x1  }
0xa3: {  	[sflag:s23] =	ssyncset.done $0x0  }
0xa4: {  	s25 =	simm.s32 $0x1B8E;
	s24 =	sld [smem:$0x3FFE];
	[sflag:s23] =	ssyncadd.s32 $0xFFFFFFFF  }
0xa5: {  	s26 =	simm.s32 $execute0_lowered;
	[smem:$0x3FD2] =	sst s25  }
0xa6: {  	s4 =	sshll.u32 s26, $0x1;
	_ =	strace $0x80000046;
	[dreg:$0x1] =	wrdreg $0xFFFFFFFF  }
0xa7: {  	s28 =	simm.s32 $_size_execute0_lowered;
	s2 =	sadd.s32 s2, s4;
	[dreg:$0x0] =	wrdreg $0x0  }
0xa8: {  	s4 =	sshll.u32 s28, $0x1;
	[dreg:$0x2] =	wrdreg s2  }
0xa9: {  	[dreg:$0x3] =	wrdreg s4  }
0xaa: {  	[dreg:$0x4] =	wrdreg $0xC0  }
0xab: {  	_ =	task [dreg:s6], $0x5FFFF  }
0xac: {  	[dreg:$0x1] =	wrdreg $0xFFFFFFFF  }
0xad: {  	[dreg:$0x0] =	wrdreg $0x60  }
0xae: {  	[dreg:$0x2] =	wrdreg s24  }
0xaf: {  	[dreg:$0x3] =	wrdreg $0x9  }
0xb0: {  	_ =	task.clear_ibuf [dreg:s6], $0x4FFFF;
	_ =	strace $0x90000046  }
0xb1: {  	s29 =	simm.s32 $0x9;
	_ =	strace $0x80000048  }
0xb2: {  	_ =	swait.ge [sflag:s29], $0x1  }
0xb3: {  	[sflag:s29] =	ssyncadd.s32 $0xFFFFFFFF  }
0xb4: {  	_ =	strace $0x90000048  }
0xb5: {  	_ =	sfence  }
0xb6: {  	s30 =	sld [smem:$0x0];
	_ =	sdelay $0x2  }
0xb7: {  	s31 =	sshll.u32 s1, $0xD;
	s1 =	sshrl.u32 s1, $0x2  }
0xb8: {  	s3 =	sand.u32 $0x4000, s31;
	s1 =	sadd.s32 s1, s30  }
0xb9: {  	s0 =	sor.u32 s3, s0;
	s1 =	sshll.u32 s1, $0x11  }
0xba: {  	s0 =	sor.u32 s1, s0  }
0xbb: {  	s0 =	sadd.s32 $0x8F2B, s0  }
0xbc: {  	[sflag:s0] =	ssyncadd.remote.s32 $0x1  }
0xbd: {  	_ =	sfence.sel $0xFFFF  }
0xbe: {  	[dreg:$0x0] =	wrdreg $0xFFFFFFFF;
	(pc) =	sbr.abs _section_cstart, $3  }
0xbf: {  	[dreg:$0x1] =	wrdreg $0xFFFFFFFF  }
0xc0: {  	_ =	task.clear_ibuf [dreg:s6], $0x2FFFF;
	_ =	strace $0x9FFFFFFF  }
0xc1: {  	(tm) =	ssettm $0x7FFFFFFF  }
tec
execute0_lowered:
.L_overlay_start_1:
0x0: {  	(tag) =	ssettag $0x1  }
0x1: {  	s3 =	rddreg [dreg:$0x0]  }
0x2: {  	s0 =	rddreg [dreg:$0x1];
	s4 =	srdreg.scid  }
0x3: {  	s2 =	simm.s32 $0x0;
	s1 =	stileid.u32;
	s4 =	sand.u32 $0x1, s4  }
0x4: {  	[smem:$0x7FF] =	sst s2;
	s5 =	sshll.u32 s1, $0x6;
	s6 =	sshll.u32 s4, $0x5  }
0x5: {  	s8 =	simm.s32 $0x0;
	_ =	strace $0x80000047;
	s5 =	sor.u32 s6, s5  }
0x6: {  	s4 =	ssub.s32 $0x2, s4;
	s6 =	sshll.u32 s5, $0x6;
	s5 =	sshll.u32 s5, $0x4  }
0x7: {  	s7 =	sshrl.u32 s4, $0x1;
	s6 =	sadd.s32 s6, s3;
	s5 =	sadd.s32 s5, s3  }
0x8: {  	s7 =	ssub.s32 s4, s7;
	s3 =	sadd.s32 $0x3600, s6;
	s4 =	sadd.s32 $0x13600, s5  }
0x9: {  	s5 =	smax.u32 s7, $0x1;
	s6 =	simm.s32 $0x1;
	s7 =	simm.s32 $0x4000  }
.LBB2_1:
0xa: {  	[tilespmem:s2], [sflag:$0x1] =	stream.linear.gather [hbm4b:s3+s2], $0x4000, $0x38;
	[tilespmem:$0x5000] =	vst v63  }
0xb: {  	_ =	swait.ge [sflag:s6], $0x4000  }
0xc: {  	[sflag:s6] =	ssyncset.done $0x0  }
0xd: {  	s9 =	simm.s32 $0x0;
	[sflag:s6] =	ssyncadd.s32 $0xFFFFC000  }
.LBB2_2:
0xe: {  	s10 =	sshll.u32 s9, $0x9;
	s11 =	sshll.u32 s9, $0x7  }
0xf: {  	s12 =	sand.u32 $0x3000, s10;
	s11 =	sand.u32 $0x380, s11  }
0x10: {  	s11 =	sor.u32 s11, s12  }
0x11: {  	v30 =	vld [tilespmem:s11+$0x0]  }
0x12: {  	v32 =	vld [tilespmem:s11+$0x10]  }
0x13: {  	v31 =	vld [tilespmem:s11+$0x20]  }
0x14: {  	v29 =	vld [tilespmem:s11+$0x30]  }
0x15: {  	v28 =	vld [tilespmem:s11+$0x40]  }
0x16: {  	v27 =	vld [tilespmem:s11+$0x50]  }
0x17: {  	v26 =	vld [tilespmem:s11+$0x60]  }
0x18: {  	v25 =	vld [tilespmem:s11+$0x70]  }
0x19: {  	v24 =	vld [tilespmem:s11+$0x400]  }
0x1a: {  	v23 =	vld [tilespmem:s11+$0x410]  }
0x1b: {  	v22 =	vld [tilespmem:s11+$0x420]  }
0x1c: {  	v21 =	vld [tilespmem:s11+$0x430]  }
0x1d: {  	v20 =	vld [tilespmem:s11+$0x440]  }
0x1e: {  	v19 =	vld [tilespmem:s11+$0x450]  }
0x1f: {  	v18 =	vld [tilespmem:s11+$0x460]  }
0x20: {  	v17 =	vld [tilespmem:s11+$0x470]  }
0x21: {  	v16 =	vld [tilespmem:s11+$0x800]  }
0x22: {  	v15 =	vld [tilespmem:s11+$0x810]  }
0x23: {  	v14 =	vld [tilespmem:s11+$0x820]  }
0x24: {  	v13 =	vld [tilespmem:s11+$0x830]  }
0x25: {  	v12 =	vld [tilespmem:s11+$0x840]  }
0x26: {  	v11 =	vld [tilespmem:s11+$0x850]  }
0x27: {  	v10 =	vld [tilespmem:s11+$0x860]  }
0x28: {  	v9 =	vld [tilespmem:s11+$0x870]  }
0x29: {  	v8 =	vld [tilespmem:s11+$0xC00]  }
0x2a: {  	v7 =	vld [tilespmem:s11+$0xC10]  }
0x2b: {  	v6 =	vld [tilespmem:s11+$0xC20]  }
0x2c: {  	v0 =	vimm.f32 $9.999999970e-07;
	v5 =	vld [tilespmem:s11+$0xC30]  }
0x2d: {  	v4 =	vld [tilespmem:s11+$0xC40];
	v34 =	vadd.f32 v30, v0  }
0x2e: {  	v3 =	vld [tilespmem:s11+$0xC50]  }
0x2f: {  	v2 =	vld [tilespmem:s11+$0xC60];
	v33 =	vadd.f32 v32, v0;
	(erf) = vrcp.f32 v34  }
0x30: {  	v1 =	vld [tilespmem:s11+$0xC70];
	s11 =	simm.s32 $0x7  }
.LBB2_3:
0x31: {  	p0 =	sne.s32 s11, $0x1;
	v34 =	vadd.f32 v31, v0;
	(erf) = vrcp.f32 v33;
	_ =	sdelay $0x1  }
0x32: {  	v33 =	vadd.f32 v29, v0;
	(erf) = vrcp.f32 v34;
	_ =	sdelay $0x1  }
0x33: {  	v35 =	vadd.f32 v28, v0;
	(erf) = vrcp.f32 v33;
	_ =	sdelay $0x1  }
0x34: {  	v37 =	vadd.f32 v27, v0;
	(erf) = vrcp.f32 v35  }
0x35: {  	v34 =	vpop (erf)  }
0x36: {  	v38 =	vadd.f32 v26, v0;
	v35 =	vadd.f32 $0.0e+00, v34;
	(erf) = vrcp.f32 v37  }
0x37: {  	v33 =	vpop (erf)  }
0x38: {  	v37 =	vadd.f32 v25, v0;
	v35 =	vadd.f32 v33, v35;
	(erf) = vrcp.f32 v38  }
0x39: {  	v34 =	vmul.f32 v34, v34;
	v33 =	vmul.f32 v33, v33;
	v36 =	vpop (erf)  }
0x3a: {  	v38 =	vadd.f32 v24, v0;
	v35 =	vadd.f32 v36, v35;
	(erf) = vrcp.f32 v37  }
0x3b: {  	v33 =	vadd.f32 v33, v34;
	v34 =	vmul.f32 v36, v36;
	v36 =	vpop (erf)  }
0x3c: {  	v37 =	vadd.f32 v23, v0;
	v35 =	vadd.f32 v36, v35;
	(erf) = vrcp.f32 v38  }
0x3d: {  	v33 =	vadd.f32 v34, v33;
	v34 =	vmul.f32 v36, v36;
	v36 =	vpop (erf)  }
0x3e: {  	v38 =	vadd.f32 v22, v0;
	v35 =	vadd.f32 v36, v35;
	(erf) = vrcp.f32 v37  }
0x3f: {  	v33 =	vadd.f32 v34, v33;
	v34 =	vmul.f32 v36, v36;
	v36 =	vpop (erf)  }
0x40: {  	v37 =	vadd.f32 v21, v0;
	v35 =	vadd.f32 v36, v35;
	(erf) = vrcp.f32 v38  }
0x41: {  	v33 =	vadd.f32 v34, v33;
	v34 =	vmul.f32 v36, v36;
	v36 =	vpop (erf)  }
0x42: {  	v38 =	vadd.f32 v20, v0;
	v35 =	vadd.f32 v36, v35;
	(erf) = vrcp.f32 v37  }
0x43: {  	v33 =	vadd.f32 v34, v33;
	v34 =	vmul.f32 v36, v36;
	v36 =	vpop (erf)  }
0x44: {  	v37 =	vadd.f32 v19, v0;
	v35 =	vadd.f32 v36, v35;
	(erf) = vrcp.f32 v38  }
0x45: {  	v33 =	vadd.f32 v34, v33;
	v34 =	vmul.f32 v36, v36;
	v36 =	vpop (erf)  }
0x46: {  	v38 =	vadd.f32 v18, v0;
	v35 =	vadd.f32 v36, v35;
	(erf) = vrcp.f32 v37  }
0x47: {  	v33 =	vadd.f32 v34, v33;
	v34 =	vmul.f32 v36, v36;
	v36 =	vpop (erf)  }
0x48: {  	v37 =	vadd.f32 v17, v0;
	v35 =	vadd.f32 v36, v35;
	(erf) = vrcp.f32 v38  }
0x49: {  	v33 =	vadd.f32 v34, v33;
	v34 =	vmul.f32 v36, v36;
	v36 =	vpop (erf)  }
0x4a: {  	v38 =	vadd.f32 v16, v0;
	v35 =	vadd.f32 v36, v35;
	(erf) = vrcp.f32 v37  }
0x4b: {  	v33 =	vadd.f32 v34, v33;
	v34 =	vmul.f32 v36, v36;
	v36 =	vpop (erf)  }
0x4c: {  	v37 =	vadd.f32 v15, v0;
	v35 =	vadd.f32 v36, v35;
	(erf) = vrcp.f32 v38  }
0x4d: {  	v33 =	vadd.f32 v34, v33;
	v34 =	vmul.f32 v36, v36;
	v36 =	vpop (erf)  }
0x4e: {  	v38 =	vadd.f32 v14, v0;
	v35 =	vadd.f32 v36, v35;
	(erf) = vrcp.f32 v37  }
0x4f: {  	v33 =	vadd.f32 v34, v33;
	v34 =	vmul.f32 v36, v36;
	v36 =	vpop (erf)  }
0x50: {  	v37 =	vadd.f32 v13, v0;
	v35 =	vadd.f32 v36, v35;
	(erf) = vrcp.f32 v38  }
0x51: {  	v33 =	vadd.f32 v34, v33;
	v34 =	vmul.f32 v36, v36;
	v36 =	vpop (erf)  }
0x52: {  	v38 =	vadd.f32 v12, v0;
	v35 =	vadd.f32 v36, v35;
	(erf) = vrcp.f32 v37  }
0x53: {  	v33 =	vadd.f32 v34, v33;
	v34 =	vmul.f32 v36, v36;
	v36 =	vpop (erf)  }
0x54: {  	v37 =	vadd.f32 v11, v0;
	v35 =	vadd.f32 v36, v35;
	(erf) = vrcp.f32 v38  }
0x55: {  	v33 =	vadd.f32 v34, v33;
	v34 =	vmul.f32 v36, v36;
	v36 =	vpop (erf)  }
0x56: {  	v38 =	vadd.f32 v10, v0;
	v35 =	vadd.f32 v36, v35;
	(erf) = vrcp.f32 v37  }
0x57: {  	v33 =	vadd.f32 v34, v33;
	v34 =	vmul.f32 v36, v36;
	v36 =	vpop (erf)  }
0x58: {  	v37 =	vadd.f32 v9, v0;
	v35 =	vadd.f32 v36, v35;
	(erf) = vrcp.f32 v38  }
0x59: {  	v33 =	vadd.f32 v34, v33;
	v34 =	vmul.f32 v36, v36;
	v36 =	vpop (erf)  }
0x5a: {  	v38 =	vadd.f32 v8, v0;
	v35 =	vadd.f32 v36, v35;
	(erf) = vrcp.f32 v37  }
0x5b: {  	v33 =	vadd.f32 v34, v33;
	v34 =	vmul.f32 v36, v36;
	v36 =	vpop (erf)  }
0x5c: {  	v37 =	vadd.f32 v7, v0;
	v35 =	vadd.f32 v36, v35;
	(erf) = vrcp.f32 v38  }
0x5d: {  	v33 =	vadd.f32 v34, v33;
	v34 =	vmul.f32 v36, v36;
	v36 =	vpop (erf)  }
0x5e: {  	v38 =	vadd.f32 v6, v0;
	v35 =	vadd.f32 v36, v35;
	(erf) = vrcp.f32 v37  }
0x5f: {  	v33 =	vadd.f32 v34, v33;
	v34 =	vmul.f32 v36, v36;
	v36 =	vpop (erf)  }
0x60: {  	v37 =	vadd.f32 v5, v0;
	v35 =	vadd.f32 v36, v35;
	(erf) = vrcp.f32 v38  }
0x61: {  	v33 =	vadd.f32 v34, v33;
	v34 =	vmul.f32 v36, v36;
	v36 =	vpop (erf)  }
0x62: {  	v38 =	vadd.f32 v4, v0;
	v35 =	vadd.f32 v36, v35;
	(erf) = vrcp.f32 v37  }
0x63: {  	v33 =	vadd.f32 v34, v33;
	v34 =	vmul.f32 v36, v36;
	v36 =	vpop (erf)  }
0x64: {  	v37 =	vadd.f32 v3, v0;
	v35 =	vadd.f32 v36, v35;
	(erf) = vrcp.f32 v38  }
0x65: {  	v33 =	vadd.f32 v34, v33;
	v34 =	vmul.f32 v36, v36;
	v36 =	vpop (erf)  }
0x66: {  	v38 =	vadd.f32 v2, v0;
	v35 =	vadd.f32 v36, v35;
	(erf) = vrcp.f32 v37  }
0x67: {  	v33 =	vadd.f32 v34, v33;
	v34 =	vmul.f32 v36, v36;
	v36 =	vpop (erf)  }
0x68: {  	v37 =	vadd.f32 v1, v0;
	v35 =	vadd.f32 v36, v35;
	(erf) = vrcp.f32 v38  }
0x69: {  	v33 =	vadd.f32 v34, v33;
	v34 =	vmul.f32 v36, v36;
	v36 =	vpop (erf)  }
0x6a: {  	v35 =	vadd.f32 v36, v35;
	(erf) = vrcp.f32 v37  }
0x6b: {  	v33 =	vadd.f32 v34, v33;
	v34 =	vmul.f32 v36, v36;
	v36 =	vpop (erf)  }
0x6c: {  	v35 =	vadd.f32 v36, v35  }
0x6d: {  	v33 =	vadd.f32 v34, v33;
	v34 =	vmul.f32 v36, v36;
	v36 =	vpop (erf)  }
0x6e: {  	v35 =	vadd.f32 v36, v35  }
0x6f: {  	v33 =	vadd.f32 v34, v33;
	v34 =	vmul.f32 v36, v36;
	v36 =	vpop (erf)  }
0x70: {  	v35 =	vadd.f32 v36, v35  }
0x71: {  	v33 =	vadd.f32 v34, v33;
	v34 =	vmul.f32 v36, v36;
	v36 =	vpop (erf)  }
0x72: {  	v35 =	vadd.f32 v36, v35  }
0x73: {  	v33 =	vadd.f32 v34, v33;
	v34 =	vmul.f32 v36, v36;
	v36 =	vpop (erf)  }
0x74: {  	v35 =	vadd.f32 v36, v35  }
0x75: {  	v33 =	vadd.f32 v34, v33;
	v34 =	vmul.f32 v36, v36  }
0x76: {  	(xrf2) =	vadd.scan.msk.f32 $0xffff, v35  }
0x77: {  	v33 =	vadd.f32 v34, v33;
	_ =	sdelay $0x1  }
0x78: {  	(xrf2) =	vadd.scan.msk.f32 $0xffff, v33;
	_ =	sdelay $0x6  }
0x79: {  	v33, _, _ =	vpop (xrf2);
	_ =	sdelay $0x2  }
0x7a: {  	v34, _, _ =	vpop (xrf2)  }
0x7b: {  	v34 =	vbroadcast v34, $0xF;
	_ =	sdelay $0x1  }
0x7c: {  	v33 =	vbroadcast v33, $0xF;
	v34 =	vmul.f32 v34, v0;
	_ =	sdelay $0x1  }
0x7d: {  	v34 =	vsub.f32 v33, v34;
	_ =	sdelay $0x1  }
0x7e: {  	(erf) = vrcp.f32 v34;
	_ =	sdelay $0x5  }
0x7f: {  	v33 =	vmul.f32 v33, v0;
	_ =	sdelay $0x1  }
0x80: {  	v33 =	vadd.f32 $-1.000000000e+02, v33  }
0x81: {  	v34 =	vpop (erf)  }
0x82: {  	v33 =	vmul.f32 v34, v33;
	_ =	sdelay $0x1  }
0x83: {  	v0 =	vsub.f32 v0, v33;
	_ =	sdelay $0x1  }
.Ltmp0:
0x84: {  	v0 =	vand.u32 $0x7FFFFFFF, v0;
	(pc) =	sbr.rel @p0 .LBB2_3-.Ltmp0, $3  }
0x85: {  	v34 =	vadd.f32 v30, v0;
	_ =	sdelay $0x1  }
0x86: {  	v33 =	vadd.f32 v32, v0;
	(erf) = vrcp.f32 v34  }
0x87: {  	s11 =	sadd.s32 $0xFFFFFFFF, s11  }
0x88: {  	v30 =	vadd.f32 v31, v0;
	(erf) = vrcp.f32 v33;
	_ =	sdelay $0x1  }
0x89: {  	v29 =	vadd.f32 v29, v0;
	(erf) = vrcp.f32 v30;
	_ =	sdelay $0x1  }
0x8a: {  	v28 =	vadd.f32 v28, v0;
	(erf) = vrcp.f32 v29;
	_ =	sdelay $0x1  }
0x8b: {  	v27 =	vadd.f32 v27, v0;
	(erf) = vrcp.f32 v28;
	_ =	sdelay $0x1  }
0x8c: {  	v26 =	vadd.f32 v26, v0;
	v35 =	vpop (erf);
	(erf) = vrcp.f32 v27  }
0x8d: {  	v36 =	vadd.f32 $0.0e+00, v35;
	v38 =	vmul.f32 v35, v35;
	v37 =	vpop (erf)  }
0x8e: {  	v25 =	vadd.f32 v25, v0;
	(erf) = vrcp.f32 v26;
	v39 =	vmul.f32 v37, v37  }
0x8f: {  	v24 =	vadd.f32 v24, v0;
	v27 =	vadd.f32 v37, v36;
	v40 =	vpop (erf)  }
0x90: {  	(erf) = vrcp.f32 v25;
	v41 =	vadd.f32 v39, v38;
	v42 =	vmul.f32 v40, v40  }
0x91: {  	v23 =	vadd.f32 v23, v0;
	v27 =	vadd.f32 v40, v27;
	v43 =	vpop (erf)  }
0x92: {  	(erf) = vrcp.f32 v24;
	v45 =	vmul.f32 v43, v43;
	v44 =	vadd.f32 v42, v41  }
0x93: {  	v22 =	vadd.f32 v22, v0;
	v47 =	vpop (erf);
	v46 =	vadd.f32 v43, v27  }
0x94: {  	(erf) = vrcp.f32 v23;
	v49 =	vmul.f32 v47, v47;
	v48 =	vadd.f32 v45, v44  }
0x95: {  	v21 =	vadd.f32 v21, v0;
	v50 =	vadd.f32 v47, v46;
	v51 =	vpop (erf)  }
0x96: {  	(erf) = vrcp.f32 v22;
	v53 =	vmul.f32 v51, v51;
	v52 =	vadd.f32 v49, v48  }
0x97: {  	v20 =	vadd.f32 v20, v0;
	v54 =	vadd.f32 v51, v50;
	v55 =	vpop (erf)  }
0x98: {  	(erf) = vrcp.f32 v21;
	v57 =	vmul.f32 v55, v55;
	v56 =	vadd.f32 v53, v52  }
0x99: {  	v19 =	vadd.f32 v19, v0;
	v58 =	vadd.f32 v55, v54;
	v59 =	vpop (erf)  }
0x9a: {  	(erf) = vrcp.f32 v20;
	v61 =	vmul.f32 v59, v59;
	v60 =	vadd.f32 v57, v56  }
0x9b: {  	v18 =	vadd.f32 v18, v0;
	v63 =	vpop (erf);
	v62 =	vadd.f32 v59, v58  }
0x9c: {  	(erf) = vrcp.f32 v19;
	v25 =	vmul.f32 v63, v63;
	v24 =	vadd.f32 v61, v60  }
0x9d: {  	v17 =	vadd.f32 v17, v0;
	v27 =	vpop (erf);
	v26 =	vadd.f32 v63, v62  }
0x9e: {  	(erf) = vrcp.f32 v18;
	v29 =	vmul.f32 v27, v27;
	v28 =	vadd.f32 v25, v24  }
0x9f: {  	v16 =	vadd.f32 v16, v0;
	v31 =	vpop (erf);
	v30 =	vadd.f32 v27, v26  }
0xa0: {  	(erf) = vrcp.f32 v17;
	v33 =	vmul.f32 v31, v31;
	v32 =	vadd.f32 v29, v28  }
0xa1: {  	v15 =	vadd.f32 v15, v0;
	v35 =	vpop (erf);
	v34 =	vadd.f32 v31, v30  }
0xa2: {  	(erf) = vrcp.f32 v16;
	v37 =	vmul.f32 v35, v35;
	v36 =	vadd.f32 v33, v32  }
0xa3: {  	v14 =	vadd.f32 v14, v0;
	v39 =	vpop (erf);
	v38 =	vadd.f32 v35, v34  }
0xa4: {  	(erf) = vrcp.f32 v15;
	v41 =	vmul.f32 v39, v39;
	v40 =	vadd.f32 v37, v36  }
0xa5: {  	v13 =	vadd.f32 v13, v0;
	v43 =	vpop (erf);
	v42 =	vadd.f32 v39, v38  }
0xa6: {  	(erf) = vrcp.f32 v14;
	v45 =	vmul.f32 v43, v43;
	v44 =	vadd.f32 v41, v40  }
0xa7: {  	v12 =	vadd.f32 v12, v0;
	v47 =	vpop (erf);
	v46 =	vadd.f32 v43, v42  }
0xa8: {  	(erf) = vrcp.f32 v13;
	v49 =	vmul.f32 v47, v47;
	v48 =	vadd.f32 v45, v44  }
0xa9: {  	v11 =	vadd.f32 v11, v0;
	v51 =	vpop (erf);
	v50 =	vadd.f32 v47, v46  }
0xaa: {  	(erf) = vrcp.f32 v12;
	v53 =	vmul.f32 v51, v51;
	v52 =	vadd.f32 v49, v48  }
0xab: {  	v10 =	vadd.f32 v10, v0;
	v55 =	vpop (erf);
	v54 =	vadd.f32 v51, v50  }
0xac: {  	(erf) = vrcp.f32 v11;
	v57 =	vmul.f32 v55, v55;
	v56 =	vadd.f32 v53, v52  }
0xad: {  	v9 =	vadd.f32 v9, v0;
	v59 =	vpop (erf);
	v58 =	vadd.f32 v55, v54  }
0xae: {  	(erf) = vrcp.f32 v10;
	v61 =	vmul.f32 v59, v59;
	v60 =	vadd.f32 v57, v56  }
0xaf: {  	v8 =	vadd.f32 v8, v0;
	v63 =	vpop (erf);
	v62 =	vadd.f32 v59, v58  }
0xb0: {  	(erf) = vrcp.f32 v9;
	v17 =	vmul.f32 v63, v63;
	v16 =	vadd.f32 v61, v60  }
0xb1: {  	v7 =	vadd.f32 v7, v0;
	v19 =	vpop (erf);
	v18 =	vadd.f32 v63, v62  }
0xb2: {  	(erf) = vrcp.f32 v8;
	v21 =	vmul.f32 v19, v19;
	v20 =	vadd.f32 v17, v16  }
0xb3: {  	v6 =	vadd.f32 v6, v0;
	v23 =	vpop (erf);
	v22 =	vadd.f32 v19, v18  }
0xb4: {  	(erf) = vrcp.f32 v7;
	v25 =	vmul.f32 v23, v23;
	v24 =	vadd.f32 v21, v20  }
0xb5: {  	v5 =	vadd.f32 v5, v0;
	v27 =	vpop (erf);
	v26 =	vadd.f32 v23, v22  }
0xb6: {  	(erf) = vrcp.f32 v6;
	v29 =	vmul.f32 v27, v27;
	v28 =	vadd.f32 v25, v24  }
0xb7: {  	v4 =	vadd.f32 v4, v0;
	v31 =	vpop (erf);
	v30 =	vadd.f32 v27, v26  }
0xb8: {  	(erf) = vrcp.f32 v5;
	v33 =	vmul.f32 v31, v31;
	v32 =	vadd.f32 v29, v28  }
0xb9: {  	v3 =	vadd.f32 v3, v0;
	v35 =	vpop (erf);
	v34 =	vadd.f32 v31, v30  }
0xba: {  	(erf) = vrcp.f32 v4;
	v37 =	vmul.f32 v35, v35;
	v36 =	vadd.f32 v33, v32  }
0xbb: {  	v2 =	vadd.f32 v2, v0;
	v39 =	vpop (erf);
	v38 =	vadd.f32 v35, v34  }
0xbc: {  	(erf) = vrcp.f32 v3;
	v41 =	vmul.f32 v39, v39;
	v40 =	vadd.f32 v37, v36  }
0xbd: {  	v1 =	vadd.f32 v1, v0;
	v43 =	vpop (erf);
	v42 =	vadd.f32 v39, v38  }
0xbe: {  	(erf) = vrcp.f32 v2;
	v45 =	vmul.f32 v43, v43;
	v44 =	vadd.f32 v41, v40  }
0xbf: {  	v47 =	vpop (erf);
	v46 =	vadd.f32 v43, v42  }
0xc0: {  	(erf) = vrcp.f32 v1;
	v49 =	vmul.f32 v47, v47;
	v48 =	vadd.f32 v45, v44  }
0xc1: {  	v51 =	vpop (erf);
	v50 =	vadd.f32 v47, v46  }
0xc2: {  	v52 =	vmul.f32 v51, v51;
	v1 =	vadd.f32 v49, v48  }
0xc3: {  	v53 =	vpop (erf);
	v3 =	vadd.f32 v51, v50  }
0xc4: {  	v54 =	vmul.f32 v53, v53;
	v1 =	vadd.f32 v52, v1  }
0xc5: {  	v55 =	vpop (erf);
	v3 =	vadd.f32 v53, v3  }
0xc6: {  	v56 =	vmul.f32 v55, v55;
	v1 =	vadd.f32 v54, v1  }
0xc7: {  	v57 =	vpop (erf);
	v3 =	vadd.f32 v55, v3  }
0xc8: {  	v58 =	vmul.f32 v57, v57;
	v1 =	vadd.f32 v56, v1  }
0xc9: {  	v59 =	vpop (erf);
	v3 =	vadd.f32 v57, v3  }
0xca: {  	v60 =	vmul.f32 v59, v59;
	v1 =	vadd.f32 v58, v1  }
0xcb: {  	v3 =	vadd.f32 v59, v3  }
0xcc: {  	v1 =	vadd.f32 v60, v1  }
0xcd: {  	(xrf2) =	vadd.scan.msk.f32 $0xffff, v3  }
0xce: {  	(xrf2) =	vadd.scan.msk.f32 $0xffff, v1;
	_ =	sdelay $0x8  }
0xcf: {  	v61, _, _ =	vpop (xrf2)  }
0xd0: {  	v62, _, _ =	vpop (xrf2)  }
0xd1: {  	v2 =	vbroadcast v62, $0xF;
	_ =	sdelay $0x1  }
0xd2: {  	v1 =	vbroadcast v61, $0xF;
	v2 =	vmul.f32 v2, v0;
	_ =	sdelay $0x1  }
0xd3: {  	v2 =	vsub.f32 v1, v2;
	_ =	sdelay $0x1  }
0xd4: {  	(erf) = vrcp.f32 v2;
	_ =	sdelay $0x5  }
0xd5: {  	v1 =	vmul.f32 v1, v0;
	_ =	sdelay $0x1  }
0xd6: {  	v1 =	vadd.f32 $-1.000000000e+02, v1  }
0xd7: {  	s9 =	sadd.s32 $0x1, s9;
	v2 =	vpop (erf)  }
0xd8: {  	p0 =	sne.s32 s9, $0x20;
	v1 =	vmul.f32 v2, v1  }
.Ltmp1:
0xd9: {  	_ = 	snop;
	(pc) =	sbr.rel @p0 .LBB2_2-.Ltmp1, $3  }
0xda: {  	v63 =	vsub.f32 v0, v1;
	_ =	sdelay $0x1  }
0xdb: {  	s10 =	sshrl.u32 s10, $0x2;
	v0 =	vand.u32 $0x7FFFFFFF, v63  }
0xdc: {  	[tilespmem:s10+$0x4000] =	vst v0  }
0xdd: {  	s8 =	sadd.s32 $0x1, s8  }
0xde: {  	p0 =	sne.s32 s8, s5  }
.Ltmp2:
0xdf: {  	_ = 	snop;
	(pc) =	sbr.rel @p0 .LBB2_1-.Ltmp2, $4  }
0xe0: {  	[hbm4b:s4+s2] =	stream.linear.scatter [tilespmem:s7], [sflag:$0x1], $0x1000, $0x38;
	[tilespmem:$0x5000] =	vst v63  }
0xe1: {  	_ =	swait.ge [sflag:s6], $0x1000  }
0xe2: {  	[sflag:s6] =	ssyncset.done $0x0  }
0xe3: {  	[sflag:s6] =	ssyncadd.s32 $0xFFFFF000  }
0xe4: {  	_ =	sfence.sel $0x180000  }
0xe5: {  	[bflag:$0x0] =	sbarrier.arrive $0xFFFF  }
0xe6: {  	p0 =	sne.s32 s1, $0x0;
	_ =	strace $0x90000047  }
0xe7: {  	s0 =	sadd.s32 @!p0 $0x100000, s0;
	[bflag:$0x2] =	sbarrier.arrive $0xFFFF  }
0xe8: {  	[sflag:s0] =	ssyncadd.tile.s32 @!p0 $0x1;
	_ =	shalt  }
.Lfunc_end2:
_tile_overlayer_lowered:
.L_overlay_start_2:
0xe9: {  	(tag) =	ssettag $0x2  }
0xea: {  	s0 =	rddreg [dreg:$0x0];
	s2 =	stileid.u32  }
0xeb: {  	s1 =	rddreg [dreg:$0x1];
	p0 =	sne.s32 s2, $0x0  }
0xec: {  	s3 =	rddreg [dreg:$0x2];
	[bflag:$0x3] =	sbarrier.arrive $0xFFFF;
	s2 =	simm.s32 @!p0 $0x1C01  }
0xed: {  	[timem:s3], [sflag:s2] =	dma.local @!p0 [hbm:s0], s1  }
0xee: {  	s0 =	simm.s32 @!p0 $0x1  }
0xef: {  	_ =	swait.ge @!p0 [sflag:s0], s1  }
0xf0: {  	s1 =	ssub.s32 @!p0 $0x0, s1;
	[sflag:s0] =	ssyncset.done @!p0 $0x0  }
0xf1: {  	[sflag:s0] =	ssyncadd.s32 @!p0 s1  }
0xf2: {  	[bflag:$0x3] =	sbarrier.arrive $0xFFFF  }
0xf3: {  	_ =	shalt  }

</sc_bundles>
